<compile_context>
chip_gen: v7x
topology: tpu7x:2x2x1
jax: 0.10.2.dev20260603
libtpu: 0.0.44.dev20260713+nightly
codegen_flags: <defaults>
</compile_context>

<pallas_src>
import functools

import jax
import jax.numpy as jnp
from jax import lax
from jax.experimental import pallas as pl
from jax.experimental.pallas import tpu as pltpu
from jax.experimental.pallas import tpu_sc as plsc

N_CLS = 1000
N_CTX = 16
D = 512
TOK = 76
TOK_PAD = 80
OUT_SEQ = 1 + N_CTX + TOK

NC = 2
NS = 16
NW = NC * NS

FULL_ROUNDS = N_CLS // NW
TAIL = N_CLS - FULL_ROUNDS * NW


def _body(idx_hbm, table_hbm, ctx0_hbm, prefix_hbm, out_hbm,
          idx_v, rows_v, head_v, sem):
  wid = lax.axis_index("s") * NC + lax.axis_index("c")

  pltpu.sync_copy(ctx0_hbm, head_v.at[pl.ds(1, N_CTX)])

  def do_class(i):
    pltpu.sync_copy(idx_hbm.at[i], idx_v)
    gather = pltpu.async_copy(table_hbm.at[idx_v], rows_v, sem)
    pltpu.sync_copy(prefix_hbm.at[i], head_v.at[0])
    pltpu.sync_copy(head_v, out_hbm.at[i].at[pl.ds(0, 1 + N_CTX)])
    gather.wait()
    pltpu.sync_copy(rows_v.at[pl.ds(0, TOK)],
                    out_hbm.at[i].at[pl.ds(1 + N_CTX, TOK)])

  def loop_body(t, carry):
    do_class(wid + t * NW)
    return carry

  lax.fori_loop(0, FULL_ROUNDS, loop_body, 0)

  @pl.when(wid < TAIL)
  def _():
    do_class(FULL_ROUNDS * NW + wid)


@jax.jit
def _run(idx, table, ctx0, prefix):
  mesh = plsc.VectorSubcoreMesh(
      core_axis_name="c", subcore_axis_name="s",
      num_cores=NC, num_subcores=NS)
  return pl.kernel(
      _body,
      out_type=jax.ShapeDtypeStruct((N_CLS, OUT_SEQ, D), jnp.float32),
      mesh=mesh,
      scratch_types=[
          pltpu.VMEM((TOK_PAD,), jnp.int32),
          pltpu.VMEM((TOK_PAD, D), jnp.float32),
          pltpu.VMEM((1 + N_CTX, D), jnp.float32),
          pltpu.SemaphoreType.DMA,
      ],
      compiler_params=pltpu.CompilerParams(use_tc_tiling_on_sc=False),
  )(idx, table, ctx0, prefix)


def kernel(tokenized_text, token_embedding, ctx, token_prefix):
  idx = tokenized_text[:, 1:].astype(jnp.int32)
  idx = jnp.concatenate(
      [idx, jnp.zeros((N_CLS, TOK_PAD - TOK), jnp.int32)], axis=1)
  ctx0 = ctx[0]
  prefix = token_prefix.reshape(N_CLS, D)
  return _run(idx, token_embedding, ctx0, prefix)

# --- scband reference (transcript-rebuilt; emitter-appended) ---
"""Pipeline reference for scband-prompt-learner-36215164240497 (READ-ONLY COPY).

The authoritative reference and input builder live on the scoring server;
editing this copy changes nothing except your own understanding.
"""

import jax, jax.numpy as jnp
import numpy as np

N_CLS = 1000
N_CTX = 16
CTX_DIM = 512
VOCAB = 49408
SEQ = 77

def setup_inputs(seed: int = 0) -> dict:
    key = jax.random.key(seed)
    k1, k2, k3, k4 = jax.random.split(key, 4)
    tokenized_text = jax.random.randint(k1, (N_CLS, SEQ), 0, VOCAB, dtype=jnp.int64 if jax.config.jax_enable_x64 else jnp.int32)
    token_embedding = jax.random.normal(k2, (VOCAB, CTX_DIM), dtype=jnp.float32) * 0.02
    ctx = jax.random.normal(k3, (N_CLS, N_CTX, CTX_DIM), dtype=jnp.float32) * 0.02
    token_prefix = jax.random.normal(k4, (N_CLS, 1, CTX_DIM), dtype=jnp.float32) * 0.02
    return {"tokenized_text": tokenized_text, "token_embedding": token_embedding, "ctx": ctx, "token_prefix": token_prefix}

def reference(tokenized_text, token_embedding, ctx, token_prefix):
    # text_embedding = self.token_embedding(tokenized_text)
    text_embedding = jnp.take(token_embedding, tokenized_text, axis=0)
    # ctx = self.ctx[0]; if 2D -> expand to (n_cls, n_ctx, ctx_dim)
    c = ctx[0]
    c = jnp.broadcast_to(c[None, :, :], (N_CLS, c.shape[0], c.shape[1]))
    # query_position == 'end': concat(prefix, ctx, text_embedding[:, 1:, :])
    prompts = jnp.concatenate([token_prefix, c, text_embedding[:, 1:, :]], axis=1)
    return prompts

if __name__ == "__main__":
    import jax
    _d = setup_inputs()
    print(jax.jit(kernel)(*tuple(_d.values())))

</pallas_src>

<mosaic_0001>
#map = affine_map<(d0, d1) -> (0, 0)>
#map1 = affine_map<(d0, d1) -> (0, 0, 0)>
module attributes {stable_mosaic.version = 14 : i64} {
  func.func @_body(%arg0: i32, %arg1: i32, %arg2: memref<1000x80xi32, #tpu.memory_space<hbm>>, %arg3: memref<49408x512xf32, #tpu.memory_space<hbm>>, %arg4: memref<16x512xf32, #tpu.memory_space<hbm>>, %arg5: memref<1000x512xf32, #tpu.memory_space<hbm>>, %arg6: memref<1000x93x512xf32, #tpu.memory_space<hbm>>, %arg7: memref<80xi32, #tpu.memory_space<vmem>>, %arg8: memref<80x512xf32, #tpu.memory_space<vmem>>, %arg9: memref<17x512xf32, #tpu.memory_space<vmem>>, %arg10: memref<!tpu.dma_semaphore, #tpu.memory_space<semaphore_mem>>) attributes {dimension_semantics = [#tpu.dimension_semantics<core_parallel>, #tpu.dimension_semantics<subcore_parallel>], iteration_bounds = array<i64: 2, 16>, scalar_prefetch = 0 : i64, scratch_operands = 4 : i64, tpu.core_type = #tpu.core_type<sc_vector_subcore>, window_params = [{transform_indices = #map}, {transform_indices = #map}, {transform_indices = #map}, {transform_indices = #map}, {transform_indices = #map1}]} {
    %mul3A = arith.constant 2 : i32
    %mul3A_0 = arith.muli %arg1, %mul3A : i32
    %add3A = arith.addi %mul3A_0, %arg0 : i32
    "tpu.region"() ({
      %run_scoped3A = tpu.sem_alloc : memref<!tpu.dma_semaphore, #tpu.memory_space<semaphore_mem>>
      %dma_start3A = arith.constant 1 : i32
      %dma_start3A_8 = arith.constant 0 : i32
      %dma_start3A_9 = tpu.memref_slice %arg9[%dma_start3A, %dma_start3A_8] : memref<17x512xf32, #tpu.memory_space<vmem>> -> memref<16x512xf32, #tpu.memory_space<vmem>>
      %dma_start3A_10 = arith.constant 1 : i32
      %dma_start3A_11 = arith.constant 0 : i32
      %dma_start3A_12 = tpu.memref_slice %arg9[%dma_start3A_10, %dma_start3A_11] : memref<17x512xf32, #tpu.memory_space<vmem>> -> memref<16x512xf32, #tpu.memory_space<vmem>>
      tpu.enqueue_dma source(%arg4 : memref<16x512xf32, #tpu.memory_space<hbm>>) target(%dma_start3A_12 : memref<16x512xf32, #tpu.memory_space<vmem>>) target_semaphore(%run_scoped3A : memref<!tpu.dma_semaphore, #tpu.memory_space<semaphore_mem>>)
      %dma_wait3A = arith.constant 1 : i32
      %dma_wait3A_13 = arith.constant 0 : i32
      %dma_wait3A_14 = tpu.memref_slice %arg9[%dma_wait3A, %dma_wait3A_13] : memref<17x512xf32, #tpu.memory_space<vmem>> -> memref<16x512xf32, #tpu.memory_space<vmem>>
      %dma_wait3A_15 = arith.constant 1 : i32
      %dma_wait3A_16 = arith.constant 0 : i32
      %dma_wait3A_17 = tpu.memref_slice %arg9[%dma_wait3A_15, %dma_wait3A_16] : memref<17x512xf32, #tpu.memory_space<vmem>> -> memref<16x512xf32, #tpu.memory_space<vmem>>
      tpu.wait_dma2 semaphore(%run_scoped3A : memref<!tpu.dma_semaphore, #tpu.memory_space<semaphore_mem>>) src(%arg4 : memref<16x512xf32, #tpu.memory_space<hbm>>) dst(%dma_wait3A_17 : memref<16x512xf32, #tpu.memory_space<vmem>>)
      tpu.yield
    }) : () -> ()
    %scan3A = arith.constant 0 : i32
    %scan3A_1 = arith.constant 0 : i32
    %scan3A_2 = arith.constant 31 : i32
    %scan3A_3 = arith.addi %scan3A_1, %scan3A_2 : i32
    %scan3A_4 = arith.constant 1 : i32
    scf.for %scan3A_8 = %scan3A_1 to %scan3A_3 step %scan3A_4  : i32 {
      %mul3A_9 = arith.constant 32 : i32
      %mul3A_10 = arith.muli %scan3A_8, %mul3A_9 : i32
      %add3A_11 = arith.addi %add3A, %mul3A_10 : i32
      "tpu.region"() ({
        %run_scoped3A_16 = tpu.sem_alloc : memref<!tpu.dma_semaphore, #tpu.memory_space<semaphore_mem>>
        %dma_start3A_17 = arith.constant 0 : i32
        %dma_start3A_18 = tpu.memref_slice %arg2[%add3A_11, %dma_start3A_17] : memref<1000x80xi32, #tpu.memory_space<hbm>> -> memref<1x80xi32, #tpu.memory_space<hbm>>
        %dma_start3A_19 = tpu.memref_squeeze %dma_start3A_18 : memref<1x80xi32, #tpu.memory_space<hbm>> -> memref<80xi32, #tpu.memory_space<hbm>>
        %dma_start3A_20 = arith.constant 0 : i32
        %dma_start3A_21 = tpu.memref_slice %arg2[%add3A_11, %dma_start3A_20] : memref<1000x80xi32, #tpu.memory_space<hbm>> -> memref<1x80xi32, #tpu.memory_space<hbm>>
        %dma_start3A_22 = tpu.memref_squeeze %dma_start3A_21 : memref<1x80xi32, #tpu.memory_space<hbm>> -> memref<80xi32, #tpu.memory_space<hbm>>
        tpu.enqueue_dma source(%dma_start3A_22 : memref<80xi32, #tpu.memory_space<hbm>>) target(%arg7 : memref<80xi32, #tpu.memory_space<vmem>>) target_semaphore(%run_scoped3A_16 : memref<!tpu.dma_semaphore, #tpu.memory_space<semaphore_mem>>)
        %dma_wait3A_23 = arith.constant 0 : i32
        %dma_wait3A_24 = tpu.memref_slice %arg2[%add3A_11, %dma_wait3A_23] : memref<1000x80xi32, #tpu.memory_space<hbm>> -> memref<1x80xi32, #tpu.memory_space<hbm>>
        %dma_wait3A_25 = tpu.memref_squeeze %dma_wait3A_24 : memref<1x80xi32, #tpu.memory_space<hbm>> -> memref<80xi32, #tpu.memory_space<hbm>>
        %dma_wait3A_26 = arith.constant 0 : i32
        %dma_wait3A_27 = tpu.memref_slice %arg2[%add3A_11, %dma_wait3A_26] : memref<1000x80xi32, #tpu.memory_space<hbm>> -> memref<1x80xi32, #tpu.memory_space<hbm>>
        %dma_wait3A_28 = tpu.memref_squeeze %dma_wait3A_27 : memref<1x80xi32, #tpu.memory_space<hbm>> -> memref<80xi32, #tpu.memory_space<hbm>>
        tpu.wait_dma2 semaphore(%run_scoped3A_16 : memref<!tpu.dma_semaphore, #tpu.memory_space<semaphore_mem>>) src(%dma_wait3A_28 : memref<80xi32, #tpu.memory_space<hbm>>) dst(%arg7 : memref<80xi32, #tpu.memory_space<vmem>>)
        tpu.yield
      }) : () -> ()
      %dma_start3A = arith.constant 0 : i32
      %dma_start3A_12 = arith.constant 0 : i32
      %dma_start3A_13 = tpu.memref_slice %arg3[%dma_start3A, %dma_start3A_12] : memref<49408x512xf32, #tpu.memory_space<hbm>> -> memref<49408x512xf32, #tpu.memory_space<hbm>>
      tpu.enqueue_indirect_dma source(%dma_start3A_13 : memref<49408x512xf32, #tpu.memory_space<hbm>>) target(%arg8 : memref<80x512xf32, #tpu.memory_space<vmem>>) offsets(%arg7 : memref<80xi32, #tpu.memory_space<vmem>>) semaphore(%arg10 : memref<!tpu.dma_semaphore, #tpu.memory_space<semaphore_mem>>)
      %run_scoped3A = arith.constant 0 : i32
      "tpu.region"() ({
        %run_scoped3A_16 = tpu.sem_alloc : memref<!tpu.dma_semaphore, #tpu.memory_space<semaphore_mem>>
        %dma_start3A_17 = arith.constant 0 : i32
        %dma_start3A_18 = tpu.memref_slice %arg9[%run_scoped3A, %dma_start3A_17] : memref<17x512xf32, #tpu.memory_space<vmem>> -> memref<1x512xf32, #tpu.memory_space<vmem>>
        %dma_start3A_19 = tpu.memref_squeeze %dma_start3A_18 : memref<1x512xf32, #tpu.memory_space<vmem>> -> memref<512xf32, #tpu.memory_space<vmem>>
        %dma_start3A_20 = arith.constant 0 : i32
        %dma_start3A_21 = tpu.memref_slice %arg5[%add3A_11, %dma_start3A_20] : memref<1000x512xf32, #tpu.memory_space<hbm>> -> memref<1x512xf32, #tpu.memory_space<hbm>>
        %dma_start3A_22 = tpu.memref_squeeze %dma_start3A_21 : memref<1x512xf32, #tpu.memory_space<hbm>> -> memref<512xf32, #tpu.memory_space<hbm>>
        %dma_start3A_23 = arith.constant 0 : i32
        %dma_start3A_24 = tpu.memref_slice %arg9[%run_scoped3A, %dma_start3A_23] : memref<17x512xf32, #tpu.memory_space<vmem>> -> memref<1x512xf32, #tpu.memory_space<vmem>>
        %dma_start3A_25 = tpu.memref_squeeze %dma_start3A_24 : memref<1x512xf32, #tpu.memory_space<vmem>> -> memref<512xf32, #tpu.memory_space<vmem>>
        %dma_start3A_26 = arith.constant 0 : i32
        %dma_start3A_27 = tpu.memref_slice %arg5[%add3A_11, %dma_start3A_26] : memref<1000x512xf32, #tpu.memory_space<hbm>> -> memref<1x512xf32, #tpu.memory_space<hbm>>
        %dma_start3A_28 = tpu.memref_squeeze %dma_start3A_27 : memref<1x512xf32, #tpu.memory_space<hbm>> -> memref<512xf32, #tpu.memory_space<hbm>>
        tpu.enqueue_dma source(%dma_start3A_28 : memref<512xf32, #tpu.memory_space<hbm>>) target(%dma_start3A_25 : memref<512xf32, #tpu.memory_space<vmem>>) target_semaphore(%run_scoped3A_16 : memref<!tpu.dma_semaphore, #tpu.memory_space<semaphore_mem>>)
        %dma_wait3A_29 = arith.constant 0 : i32
        %dma_wait3A_30 = tpu.memref_slice %arg9[%run_scoped3A, %dma_wait3A_29] : memref<17x512xf32, #tpu.memory_space<vmem>> -> memref<1x512xf32, #tpu.memory_space<vmem>>
        %dma_wait3A_31 = tpu.memref_squeeze %dma_wait3A_30 : memref<1x512xf32, #tpu.memory_space<vmem>> -> memref<512xf32, #tpu.memory_space<vmem>>
        %dma_wait3A_32 = arith.constant 0 : i32
        %dma_wait3A_33 = tpu.memref_slice %arg5[%add3A_11, %dma_wait3A_32] : memref<1000x512xf32, #tpu.memory_space<hbm>> -> memref<1x512xf32, #tpu.memory_space<hbm>>
        %dma_wait3A_34 = tpu.memref_squeeze %dma_wait3A_33 : memref<1x512xf32, #tpu.memory_space<hbm>> -> memref<512xf32, #tpu.memory_space<hbm>>
        %dma_wait3A_35 = arith.constant 0 : i32
        %dma_wait3A_36 = tpu.memref_slice %arg9[%run_scoped3A, %dma_wait3A_35] : memref<17x512xf32, #tpu.memory_space<vmem>> -> memref<1x512xf32, #tpu.memory_space<vmem>>
        %dma_wait3A_37 = tpu.memref_squeeze %dma_wait3A_36 : memref<1x512xf32, #tpu.memory_space<vmem>> -> memref<512xf32, #tpu.memory_space<vmem>>
        %dma_wait3A_38 = arith.constant 0 : i32
        %dma_wait3A_39 = tpu.memref_slice %arg5[%add3A_11, %dma_wait3A_38] : memref<1000x512xf32, #tpu.memory_space<hbm>> -> memref<1x512xf32, #tpu.memory_space<hbm>>
        %dma_wait3A_40 = tpu.memref_squeeze %dma_wait3A_39 : memref<1x512xf32, #tpu.memory_space<hbm>> -> memref<512xf32, #tpu.memory_space<hbm>>
        tpu.wait_dma2 semaphore(%run_scoped3A_16 : memref<!tpu.dma_semaphore, #tpu.memory_space<semaphore_mem>>) src(%dma_wait3A_40 : memref<512xf32, #tpu.memory_space<hbm>>) dst(%dma_wait3A_37 : memref<512xf32, #tpu.memory_space<vmem>>)
        tpu.yield
      }) : () -> ()
      "tpu.region"() ({
        %run_scoped3A_16 = tpu.sem_alloc : memref<!tpu.dma_semaphore, #tpu.memory_space<semaphore_mem>>
        %dma_start3A_17 = arith.constant 0 : i32
        %dma_start3A_18 = arith.constant 0 : i32
        %dma_start3A_19 = tpu.memref_slice %arg6[%add3A_11, %dma_start3A_17, %dma_start3A_18] : memref<1000x93x512xf32, #tpu.memory_space<hbm>> -> memref<1x93x512xf32, #tpu.memory_space<hbm>>
        %dma_start3A_20 = tpu.memref_squeeze %dma_start3A_19 : memref<1x93x512xf32, #tpu.memory_space<hbm>> -> memref<93x512xf32, #tpu.memory_space<hbm>>
        %dma_start3A_21 = arith.constant 0 : i32
        %dma_start3A_22 = arith.constant 0 : i32
        %dma_start3A_23 = tpu.memref_slice %dma_start3A_20[%dma_start3A_21, %dma_start3A_22] : memref<93x512xf32, #tpu.memory_space<hbm>> -> memref<17x512xf32, #tpu.memory_space<hbm>>
        %dma_start3A_24 = arith.constant 0 : i32
        %dma_start3A_25 = arith.constant 0 : i32
        %dma_start3A_26 = tpu.memref_slice %arg6[%add3A_11, %dma_start3A_24, %dma_start3A_25] : memref<1000x93x512xf32, #tpu.memory_space<hbm>> -> memref<1x93x512xf32, #tpu.memory_space<hbm>>
        %dma_start3A_27 = tpu.memref_squeeze %dma_start3A_26 : memref<1x93x512xf32, #tpu.memory_space<hbm>> -> memref<93x512xf32, #tpu.memory_space<hbm>>
        %dma_start3A_28 = arith.constant 0 : i32
        %dma_start3A_29 = arith.constant 0 : i32
        %dma_start3A_30 = tpu.memref_slice %dma_start3A_27[%dma_start3A_28, %dma_start3A_29] : memref<93x512xf32, #tpu.memory_space<hbm>> -> memref<17x512xf32, #tpu.memory_space<hbm>>
        tpu.enqueue_dma source(%arg9 : memref<17x512xf32, #tpu.memory_space<vmem>>) target(%dma_start3A_30 : memref<17x512xf32, #tpu.memory_space<hbm>>) target_semaphore(%run_scoped3A_16 : memref<!tpu.dma_semaphore, #tpu.memory_space<semaphore_mem>>)
        %dma_wait3A_31 = arith.constant 0 : i32
        %dma_wait3A_32 = arith.constant 0 : i32
        %dma_wait3A_33 = tpu.memref_slice %arg6[%add3A_11, %dma_wait3A_31, %dma_wait3A_32] : memref<1000x93x512xf32, #tpu.memory_space<hbm>> -> memref<1x93x512xf32, #tpu.memory_space<hbm>>
        %dma_wait3A_34 = tpu.memref_squeeze %dma_wait3A_33 : memref<1x93x512xf32, #tpu.memory_space<hbm>> -> memref<93x512xf32, #tpu.memory_space<hbm>>
        %dma_wait3A_35 = arith.constant 0 : i32
        %dma_wait3A_36 = arith.constant 0 : i32
        %dma_wait3A_37 = tpu.memref_slice %dma_wait3A_34[%dma_wait3A_35, %dma_wait3A_36] : memref<93x512xf32, #tpu.memory_space<hbm>> -> memref<17x512xf32, #tpu.memory_space<hbm>>
        %dma_wait3A_38 = arith.constant 0 : i32
        %dma_wait3A_39 = arith.constant 0 : i32
        %dma_wait3A_40 = tpu.memref_slice %arg6[%add3A_11, %dma_wait3A_38, %dma_wait3A_39] : memref<1000x93x512xf32, #tpu.memory_space<hbm>> -> memref<1x93x512xf32, #tpu.memory_space<hbm>>
        %dma_wait3A_41 = tpu.memref_squeeze %dma_wait3A_40 : memref<1x93x512xf32, #tpu.memory_space<hbm>> -> memref<93x512xf32, #tpu.memory_space<hbm>>
        %dma_wait3A_42 = arith.constant 0 : i32
        %dma_wait3A_43 = arith.constant 0 : i32
        %dma_wait3A_44 = tpu.memref_slice %dma_wait3A_41[%dma_wait3A_42, %dma_wait3A_43] : memref<93x512xf32, #tpu.memory_space<hbm>> -> memref<17x512xf32, #tpu.memory_space<hbm>>
        tpu.wait_dma2 semaphore(%run_scoped3A_16 : memref<!tpu.dma_semaphore, #tpu.memory_space<semaphore_mem>>) src(%arg9 : memref<17x512xf32, #tpu.memory_space<vmem>>) dst(%dma_wait3A_44 : memref<17x512xf32, #tpu.memory_space<hbm>>)
        tpu.yield
      }) : () -> ()
      %dma_wait3A = arith.constant 0 : i32
      %dma_wait3A_14 = arith.constant 0 : i32
      %dma_wait3A_15 = tpu.memref_slice %arg3[%dma_wait3A, %dma_wait3A_14] : memref<49408x512xf32, #tpu.memory_space<hbm>> -> memref<49408x512xf32, #tpu.memory_space<hbm>>
      tpu.wait_indirect_dma semaphore(%arg10 : memref<!tpu.dma_semaphore, #tpu.memory_space<semaphore_mem>>) src(%dma_wait3A_15 : memref<49408x512xf32, #tpu.memory_space<hbm>>) dst(%arg8 : memref<80x512xf32, #tpu.memory_space<vmem>>)
      "tpu.region"() ({
        %run_scoped3A_16 = tpu.sem_alloc : memref<!tpu.dma_semaphore, #tpu.memory_space<semaphore_mem>>
        %dma_start3A_17 = arith.constant 0 : i32
        %dma_start3A_18 = arith.constant 0 : i32
        %dma_start3A_19 = tpu.memref_slice %arg8[%dma_start3A_17, %dma_start3A_18] : memref<80x512xf32, #tpu.memory_space<vmem>> -> memref<76x512xf32, #tpu.memory_space<vmem>>
        %dma_start3A_20 = arith.constant 0 : i32
        %dma_start3A_21 = arith.constant 0 : i32
        %dma_start3A_22 = tpu.memref_slice %arg6[%add3A_11, %dma_start3A_20, %dma_start3A_21] : memref<1000x93x512xf32, #tpu.memory_space<hbm>> -> memref<1x93x512xf32, #tpu.memory_space<hbm>>
        %dma_start3A_23 = tpu.memref_squeeze %dma_start3A_22 : memref<1x93x512xf32, #tpu.memory_space<hbm>> -> memref<93x512xf32, #tpu.memory_space<hbm>>
        %dma_start3A_24 = arith.constant 17 : i32
        %dma_start3A_25 = arith.constant 0 : i32
        %dma_start3A_26 = tpu.memref_slice %dma_start3A_23[%dma_start3A_24, %dma_start3A_25] : memref<93x512xf32, #tpu.memory_space<hbm>> -> memref<76x512xf32, #tpu.memory_space<hbm>>
        %dma_start3A_27 = arith.constant 0 : i32
        %dma_start3A_28 = arith.constant 0 : i32
        %dma_start3A_29 = tpu.memref_slice %arg6[%add3A_11, %dma_start3A_27, %dma_start3A_28] : memref<1000x93x512xf32, #tpu.memory_space<hbm>> -> memref<1x93x512xf32, #tpu.memory_space<hbm>>
        %dma_start3A_30 = tpu.memref_squeeze %dma_start3A_29 : memref<1x93x512xf32, #tpu.memory_space<hbm>> -> memref<93x512xf32, #tpu.memory_space<hbm>>
        %dma_start3A_31 = arith.constant 17 : i32
        %dma_start3A_32 = arith.constant 0 : i32
        %dma_start3A_33 = tpu.memref_slice %dma_start3A_30[%dma_start3A_31, %dma_start3A_32] : memref<93x512xf32, #tpu.memory_space<hbm>> -> memref<76x512xf32, #tpu.memory_space<hbm>>
        %dma_start3A_34 = arith.constant 0 : i32
        %dma_start3A_35 = arith.constant 0 : i32
        %dma_start3A_36 = tpu.memref_slice %arg8[%dma_start3A_34, %dma_start3A_35] : memref<80x512xf32, #tpu.memory_space<vmem>> -> memref<76x512xf32, #tpu.memory_space<vmem>>
        tpu.enqueue_dma source(%dma_start3A_36 : memref<76x512xf32, #tpu.memory_space<vmem>>) target(%dma_start3A_33 : memref<76x512xf32, #tpu.memory_space<hbm>>) target_semaphore(%run_scoped3A_16 : memref<!tpu.dma_semaphore, #tpu.memory_space<semaphore_mem>>)
        %dma_wait3A_37 = arith.constant 0 : i32
        %dma_wait3A_38 = arith.constant 0 : i32
        %dma_wait3A_39 = tpu.memref_slice %arg8[%dma_wait3A_37, %dma_wait3A_38] : memref<80x512xf32, #tpu.memory_space<vmem>> -> memref<76x512xf32, #tpu.memory_space<vmem>>
        %dma_wait3A_40 = arith.constant 0 : i32
        %dma_wait3A_41 = arith.constant 0 : i32
        %dma_wait3A_42 = tpu.memref_slice %arg6[%add3A_11, %dma_wait3A_40, %dma_wait3A_41] : memref<1000x93x512xf32, #tpu.memory_space<hbm>> -> memref<1x93x512xf32, #tpu.memory_space<hbm>>
        %dma_wait3A_43 = tpu.memref_squeeze %dma_wait3A_42 : memref<1x93x512xf32, #tpu.memory_space<hbm>> -> memref<93x512xf32, #tpu.memory_space<hbm>>
        %dma_wait3A_44 = arith.constant 17 : i32
        %dma_wait3A_45 = arith.constant 0 : i32
        %dma_wait3A_46 = tpu.memref_slice %dma_wait3A_43[%dma_wait3A_44, %dma_wait3A_45] : memref<93x512xf32, #tpu.memory_space<hbm>> -> memref<76x512xf32, #tpu.memory_space<hbm>>
        %dma_wait3A_47 = arith.constant 0 : i32
        %dma_wait3A_48 = arith.constant 0 : i32
        %dma_wait3A_49 = tpu.memref_slice %arg6[%add3A_11, %dma_wait3A_47, %dma_wait3A_48] : memref<1000x93x512xf32, #tpu.memory_space<hbm>> -> memref<1x93x512xf32, #tpu.memory_space<hbm>>
        %dma_wait3A_50 = tpu.memref_squeeze %dma_wait3A_49 : memref<1x93x512xf32, #tpu.memory_space<hbm>> -> memref<93x512xf32, #tpu.memory_space<hbm>>
        %dma_wait3A_51 = arith.constant 17 : i32
        %dma_wait3A_52 = arith.constant 0 : i32
        %dma_wait3A_53 = tpu.memref_slice %dma_wait3A_50[%dma_wait3A_51, %dma_wait3A_52] : memref<93x512xf32, #tpu.memory_space<hbm>> -> memref<76x512xf32, #tpu.memory_space<hbm>>
        %dma_wait3A_54 = arith.constant 0 : i32
        %dma_wait3A_55 = arith.constant 0 : i32
        %dma_wait3A_56 = tpu.memref_slice %arg8[%dma_wait3A_54, %dma_wait3A_55] : memref<80x512xf32, #tpu.memory_space<vmem>> -> memref<76x512xf32, #tpu.memory_space<vmem>>
        tpu.wait_dma2 semaphore(%run_scoped3A_16 : memref<!tpu.dma_semaphore, #tpu.memory_space<semaphore_mem>>) src(%dma_wait3A_56 : memref<76x512xf32, #tpu.memory_space<vmem>>) dst(%dma_wait3A_53 : memref<76x512xf32, #tpu.memory_space<hbm>>)
        tpu.yield
      }) : () -> ()
    }
    %scan3A_5 = arith.constant 31 : i32
    %lt3A = arith.constant 8 : i32
    %lt3A_6 = arith.cmpi slt, %add3A, %lt3A : i32
    %convert_element_type3A = arith.extui %lt3A_6 : i1 to i32
    %cond3A = arith.constant 0 : i32
    %cond3A_7 = arith.cmpi ne, %convert_element_type3A, %cond3A : i32
    scf.if %cond3A_7 {
      %add3A_8 = arith.constant 992 : i32
      %add3A_9 = arith.addi %add3A_8, %add3A : i32
      "tpu.region"() ({
        %run_scoped3A_14 = tpu.sem_alloc : memref<!tpu.dma_semaphore, #tpu.memory_space<semaphore_mem>>
        %dma_start3A_15 = arith.constant 0 : i32
        %dma_start3A_16 = tpu.memref_slice %arg2[%add3A_9, %dma_start3A_15] : memref<1000x80xi32, #tpu.memory_space<hbm>> -> memref<1x80xi32, #tpu.memory_space<hbm>>
        %dma_start3A_17 = tpu.memref_squeeze %dma_start3A_16 : memref<1x80xi32, #tpu.memory_space<hbm>> -> memref<80xi32, #tpu.memory_space<hbm>>
        %dma_start3A_18 = arith.constant 0 : i32
        %dma_start3A_19 = tpu.memref_slice %arg2[%add3A_9, %dma_start3A_18] : memref<1000x80xi32, #tpu.memory_space<hbm>> -> memref<1x80xi32, #tpu.memory_space<hbm>>
        %dma_start3A_20 = tpu.memref_squeeze %dma_start3A_19 : memref<1x80xi32, #tpu.memory_space<hbm>> -> memref<80xi32, #tpu.memory_space<hbm>>
        tpu.enqueue_dma source(%dma_start3A_20 : memref<80xi32, #tpu.memory_space<hbm>>) target(%arg7 : memref<80xi32, #tpu.memory_space<vmem>>) target_semaphore(%run_scoped3A_14 : memref<!tpu.dma_semaphore, #tpu.memory_space<semaphore_mem>>)
        %dma_wait3A_21 = arith.constant 0 : i32
        %dma_wait3A_22 = tpu.memref_slice %arg2[%add3A_9, %dma_wait3A_21] : memref<1000x80xi32, #tpu.memory_space<hbm>> -> memref<1x80xi32, #tpu.memory_space<hbm>>
        %dma_wait3A_23 = tpu.memref_squeeze %dma_wait3A_22 : memref<1x80xi32, #tpu.memory_space<hbm>> -> memref<80xi32, #tpu.memory_space<hbm>>
        %dma_wait3A_24 = arith.constant 0 : i32
        %dma_wait3A_25 = tpu.memref_slice %arg2[%add3A_9, %dma_wait3A_24] : memref<1000x80xi32, #tpu.memory_space<hbm>> -> memref<1x80xi32, #tpu.memory_space<hbm>>
        %dma_wait3A_26 = tpu.memref_squeeze %dma_wait3A_25 : memref<1x80xi32, #tpu.memory_space<hbm>> -> memref<80xi32, #tpu.memory_space<hbm>>
        tpu.wait_dma2 semaphore(%run_scoped3A_14 : memref<!tpu.dma_semaphore, #tpu.memory_space<semaphore_mem>>) src(%dma_wait3A_26 : memref<80xi32, #tpu.memory_space<hbm>>) dst(%arg7 : memref<80xi32, #tpu.memory_space<vmem>>)
        tpu.yield
      }) : () -> ()
      %dma_start3A = arith.constant 0 : i32
      %dma_start3A_10 = arith.constant 0 : i32
      %dma_start3A_11 = tpu.memref_slice %arg3[%dma_start3A, %dma_start3A_10] : memref<49408x512xf32, #tpu.memory_space<hbm>> -> memref<49408x512xf32, #tpu.memory_space<hbm>>
      tpu.enqueue_indirect_dma source(%dma_start3A_11 : memref<49408x512xf32, #tpu.memory_space<hbm>>) target(%arg8 : memref<80x512xf32, #tpu.memory_space<vmem>>) offsets(%arg7 : memref<80xi32, #tpu.memory_space<vmem>>) semaphore(%arg10 : memref<!tpu.dma_semaphore, #tpu.memory_space<semaphore_mem>>)
      %run_scoped3A = arith.constant 0 : i32
      "tpu.region"() ({
        %run_scoped3A_14 = tpu.sem_alloc : memref<!tpu.dma_semaphore, #tpu.memory_space<semaphore_mem>>
        %dma_start3A_15 = arith.constant 0 : i32
        %dma_start3A_16 = tpu.memref_slice %arg9[%run_scoped3A, %dma_start3A_15] : memref<17x512xf32, #tpu.memory_space<vmem>> -> memref<1x512xf32, #tpu.memory_space<vmem>>
        %dma_start3A_17 = tpu.memref_squeeze %dma_start3A_16 : memref<1x512xf32, #tpu.memory_space<vmem>> -> memref<512xf32, #tpu.memory_space<vmem>>
        %dma_start3A_18 = arith.constant 0 : i32
        %dma_start3A_19 = tpu.memref_slice %arg5[%add3A_9, %dma_start3A_18] : memref<1000x512xf32, #tpu.memory_space<hbm>> -> memref<1x512xf32, #tpu.memory_space<hbm>>
        %dma_start3A_20 = tpu.memref_squeeze %dma_start3A_19 : memref<1x512xf32, #tpu.memory_space<hbm>> -> memref<512xf32, #tpu.memory_space<hbm>>
        %dma_start3A_21 = arith.constant 0 : i32
        %dma_start3A_22 = tpu.memref_slice %arg9[%run_scoped3A, %dma_start3A_21] : memref<17x512xf32, #tpu.memory_space<vmem>> -> memref<1x512xf32, #tpu.memory_space<vmem>>
        %dma_start3A_23 = tpu.memref_squeeze %dma_start3A_22 : memref<1x512xf32, #tpu.memory_space<vmem>> -> memref<512xf32, #tpu.memory_space<vmem>>
        %dma_start3A_24 = arith.constant 0 : i32
        %dma_start3A_25 = tpu.memref_slice %arg5[%add3A_9, %dma_start3A_24] : memref<1000x512xf32, #tpu.memory_space<hbm>> -> memref<1x512xf32, #tpu.memory_space<hbm>>
        %dma_start3A_26 = tpu.memref_squeeze %dma_start3A_25 : memref<1x512xf32, #tpu.memory_space<hbm>> -> memref<512xf32, #tpu.memory_space<hbm>>
        tpu.enqueue_dma source(%dma_start3A_26 : memref<512xf32, #tpu.memory_space<hbm>>) target(%dma_start3A_23 : memref<512xf32, #tpu.memory_space<vmem>>) target_semaphore(%run_scoped3A_14 : memref<!tpu.dma_semaphore, #tpu.memory_space<semaphore_mem>>)
        %dma_wait3A_27 = arith.constant 0 : i32
        %dma_wait3A_28 = tpu.memref_slice %arg9[%run_scoped3A, %dma_wait3A_27] : memref<17x512xf32, #tpu.memory_space<vmem>> -> memref<1x512xf32, #tpu.memory_space<vmem>>
        %dma_wait3A_29 = tpu.memref_squeeze %dma_wait3A_28 : memref<1x512xf32, #tpu.memory_space<vmem>> -> memref<512xf32, #tpu.memory_space<vmem>>
        %dma_wait3A_30 = arith.constant 0 : i32
        %dma_wait3A_31 = tpu.memref_slice %arg5[%add3A_9, %dma_wait3A_30] : memref<1000x512xf32, #tpu.memory_space<hbm>> -> memref<1x512xf32, #tpu.memory_space<hbm>>
        %dma_wait3A_32 = tpu.memref_squeeze %dma_wait3A_31 : memref<1x512xf32, #tpu.memory_space<hbm>> -> memref<512xf32, #tpu.memory_space<hbm>>
        %dma_wait3A_33 = arith.constant 0 : i32
        %dma_wait3A_34 = tpu.memref_slice %arg9[%run_scoped3A, %dma_wait3A_33] : memref<17x512xf32, #tpu.memory_space<vmem>> -> memref<1x512xf32, #tpu.memory_space<vmem>>
        %dma_wait3A_35 = tpu.memref_squeeze %dma_wait3A_34 : memref<1x512xf32, #tpu.memory_space<vmem>> -> memref<512xf32, #tpu.memory_space<vmem>>
        %dma_wait3A_36 = arith.constant 0 : i32
        %dma_wait3A_37 = tpu.memref_slice %arg5[%add3A_9, %dma_wait3A_36] : memref<1000x512xf32, #tpu.memory_space<hbm>> -> memref<1x512xf32, #tpu.memory_space<hbm>>
        %dma_wait3A_38 = tpu.memref_squeeze %dma_wait3A_37 : memref<1x512xf32, #tpu.memory_space<hbm>> -> memref<512xf32, #tpu.memory_space<hbm>>
        tpu.wait_dma2 semaphore(%run_scoped3A_14 : memref<!tpu.dma_semaphore, #tpu.memory_space<semaphore_mem>>) src(%dma_wait3A_38 : memref<512xf32, #tpu.memory_space<hbm>>) dst(%dma_wait3A_35 : memref<512xf32, #tpu.memory_space<vmem>>)
        tpu.yield
      }) : () -> ()
      "tpu.region"() ({
        %run_scoped3A_14 = tpu.sem_alloc : memref<!tpu.dma_semaphore, #tpu.memory_space<semaphore_mem>>
        %dma_start3A_15 = arith.constant 0 : i32
        %dma_start3A_16 = arith.constant 0 : i32
        %dma_start3A_17 = tpu.memref_slice %arg6[%add3A_9, %dma_start3A_15, %dma_start3A_16] : memref<1000x93x512xf32, #tpu.memory_space<hbm>> -> memref<1x93x512xf32, #tpu.memory_space<hbm>>
        %dma_start3A_18 = tpu.memref_squeeze %dma_start3A_17 : memref<1x93x512xf32, #tpu.memory_space<hbm>> -> memref<93x512xf32, #tpu.memory_space<hbm>>
        %dma_start3A_19 = arith.constant 0 : i32
        %dma_start3A_20 = arith.constant 0 : i32
        %dma_start3A_21 = tpu.memref_slice %dma_start3A_18[%dma_start3A_19, %dma_start3A_20] : memref<93x512xf32, #tpu.memory_space<hbm>> -> memref<17x512xf32, #tpu.memory_space<hbm>>
        %dma_start3A_22 = arith.constant 0 : i32
        %dma_start3A_23 = arith.constant 0 : i32
        %dma_start3A_24 = tpu.memref_slice %arg6[%add3A_9, %dma_start3A_22, %dma_start3A_23] : memref<1000x93x512xf32, #tpu.memory_space<hbm>> -> memref<1x93x512xf32, #tpu.memory_space<hbm>>
        %dma_start3A_25 = tpu.memref_squeeze %dma_start3A_24 : memref<1x93x512xf32, #tpu.memory_space<hbm>> -> memref<93x512xf32, #tpu.memory_space<hbm>>
        %dma_start3A_26 = arith.constant 0 : i32
        %dma_start3A_27 = arith.constant 0 : i32
        %dma_start3A_28 = tpu.memref_slice %dma_start3A_25[%dma_start3A_26, %dma_start3A_27] : memref<93x512xf32, #tpu.memory_space<hbm>> -> memref<17x512xf32, #tpu.memory_space<hbm>>
        tpu.enqueue_dma source(%arg9 : memref<17x512xf32, #tpu.memory_space<vmem>>) target(%dma_start3A_28 : memref<17x512xf32, #tpu.memory_space<hbm>>) target_semaphore(%run_scoped3A_14 : memref<!tpu.dma_semaphore, #tpu.memory_space<semaphore_mem>>)
        %dma_wait3A_29 = arith.constant 0 : i32
        %dma_wait3A_30 = arith.constant 0 : i32
        %dma_wait3A_31 = tpu.memref_slice %arg6[%add3A_9, %dma_wait3A_29, %dma_wait3A_30] : memref<1000x93x512xf32, #tpu.memory_space<hbm>> -> memref<1x93x512xf32, #tpu.memory_space<hbm>>
        %dma_wait3A_32 = tpu.memref_squeeze %dma_wait3A_31 : memref<1x93x512xf32, #tpu.memory_space<hbm>> -> memref<93x512xf32, #tpu.memory_space<hbm>>
        %dma_wait3A_33 = arith.constant 0 : i32
        %dma_wait3A_34 = arith.constant 0 : i32
        %dma_wait3A_35 = tpu.memref_slice %dma_wait3A_32[%dma_wait3A_33, %dma_wait3A_34] : memref<93x512xf32, #tpu.memory_space<hbm>> -> memref<17x512xf32, #tpu.memory_space<hbm>>
        %dma_wait3A_36 = arith.constant 0 : i32
        %dma_wait3A_37 = arith.constant 0 : i32
        %dma_wait3A_38 = tpu.memref_slice %arg6[%add3A_9, %dma_wait3A_36, %dma_wait3A_37] : memref<1000x93x512xf32, #tpu.memory_space<hbm>> -> memref<1x93x512xf32, #tpu.memory_space<hbm>>
        %dma_wait3A_39 = tpu.memref_squeeze %dma_wait3A_38 : memref<1x93x512xf32, #tpu.memory_space<hbm>> -> memref<93x512xf32, #tpu.memory_space<hbm>>
        %dma_wait3A_40 = arith.constant 0 : i32
        %dma_wait3A_41 = arith.constant 0 : i32
        %dma_wait3A_42 = tpu.memref_slice %dma_wait3A_39[%dma_wait3A_40, %dma_wait3A_41] : memref<93x512xf32, #tpu.memory_space<hbm>> -> memref<17x512xf32, #tpu.memory_space<hbm>>
        tpu.wait_dma2 semaphore(%run_scoped3A_14 : memref<!tpu.dma_semaphore, #tpu.memory_space<semaphore_mem>>) src(%arg9 : memref<17x512xf32, #tpu.memory_space<vmem>>) dst(%dma_wait3A_42 : memref<17x512xf32, #tpu.memory_space<hbm>>)
        tpu.yield
      }) : () -> ()
      %dma_wait3A = arith.constant 0 : i32
      %dma_wait3A_12 = arith.constant 0 : i32
      %dma_wait3A_13 = tpu.memref_slice %arg3[%dma_wait3A, %dma_wait3A_12] : memref<49408x512xf32, #tpu.memory_space<hbm>> -> memref<49408x512xf32, #tpu.memory_space<hbm>>
      tpu.wait_indirect_dma semaphore(%arg10 : memref<!tpu.dma_semaphore, #tpu.memory_space<semaphore_mem>>) src(%dma_wait3A_13 : memref<49408x512xf32, #tpu.memory_space<hbm>>) dst(%arg8 : memref<80x512xf32, #tpu.memory_space<vmem>>)
      "tpu.region"() ({
        %run_scoped3A_14 = tpu.sem_alloc : memref<!tpu.dma_semaphore, #tpu.memory_space<semaphore_mem>>
        %dma_start3A_15 = arith.constant 0 : i32
        %dma_start3A_16 = arith.constant 0 : i32
        %dma_start3A_17 = tpu.memref_slice %arg8[%dma_start3A_15, %dma_start3A_16] : memref<80x512xf32, #tpu.memory_space<vmem>> -> memref<76x512xf32, #tpu.memory_space<vmem>>
        %dma_start3A_18 = arith.constant 0 : i32
        %dma_start3A_19 = arith.constant 0 : i32
        %dma_start3A_20 = tpu.memref_slice %arg6[%add3A_9, %dma_start3A_18, %dma_start3A_19] : memref<1000x93x512xf32, #tpu.memory_space<hbm>> -> memref<1x93x512xf32, #tpu.memory_space<hbm>>
        %dma_start3A_21 = tpu.memref_squeeze %dma_start3A_20 : memref<1x93x512xf32, #tpu.memory_space<hbm>> -> memref<93x512xf32, #tpu.memory_space<hbm>>
        %dma_start3A_22 = arith.constant 17 : i32
        %dma_start3A_23 = arith.constant 0 : i32
        %dma_start3A_24 = tpu.memref_slice %dma_start3A_21[%dma_start3A_22, %dma_start3A_23] : memref<93x512xf32, #tpu.memory_space<hbm>> -> memref<76x512xf32, #tpu.memory_space<hbm>>
        %dma_start3A_25 = arith.constant 0 : i32
        %dma_start3A_26 = arith.constant 0 : i32
        %dma_start3A_27 = tpu.memref_slice %arg6[%add3A_9, %dma_start3A_25, %dma_start3A_26] : memref<1000x93x512xf32, #tpu.memory_space<hbm>> -> memref<1x93x512xf32, #tpu.memory_space<hbm>>
        %dma_start3A_28 = tpu.memref_squeeze %dma_start3A_27 : memref<1x93x512xf32, #tpu.memory_space<hbm>> -> memref<93x512xf32, #tpu.memory_space<hbm>>
        %dma_start3A_29 = arith.constant 17 : i32
        %dma_start3A_30 = arith.constant 0 : i32
        %dma_start3A_31 = tpu.memref_slice %dma_start3A_28[%dma_start3A_29, %dma_start3A_30] : memref<93x512xf32, #tpu.memory_space<hbm>> -> memref<76x512xf32, #tpu.memory_space<hbm>>
        %dma_start3A_32 = arith.constant 0 : i32
        %dma_start3A_33 = arith.constant 0 : i32
        %dma_start3A_34 = tpu.memref_slice %arg8[%dma_start3A_32, %dma_start3A_33] : memref<80x512xf32, #tpu.memory_space<vmem>> -> memref<76x512xf32, #tpu.memory_space<vmem>>
        tpu.enqueue_dma source(%dma_start3A_34 : memref<76x512xf32, #tpu.memory_space<vmem>>) target(%dma_start3A_31 : memref<76x512xf32, #tpu.memory_space<hbm>>) target_semaphore(%run_scoped3A_14 : memref<!tpu.dma_semaphore, #tpu.memory_space<semaphore_mem>>)
        %dma_wait3A_35 = arith.constant 0 : i32
        %dma_wait3A_36 = arith.constant 0 : i32
        %dma_wait3A_37 = tpu.memref_slice %arg8[%dma_wait3A_35, %dma_wait3A_36] : memref<80x512xf32, #tpu.memory_space<vmem>> -> memref<76x512xf32, #tpu.memory_space<vmem>>
        %dma_wait3A_38 = arith.constant 0 : i32
        %dma_wait3A_39 = arith.constant 0 : i32
        %dma_wait3A_40 = tpu.memref_slice %arg6[%add3A_9, %dma_wait3A_38, %dma_wait3A_39] : memref<1000x93x512xf32, #tpu.memory_space<hbm>> -> memref<1x93x512xf32, #tpu.memory_space<hbm>>
        %dma_wait3A_41 = tpu.memref_squeeze %dma_wait3A_40 : memref<1x93x512xf32, #tpu.memory_space<hbm>> -> memref<93x512xf32, #tpu.memory_space<hbm>>
        %dma_wait3A_42 = arith.constant 17 : i32
        %dma_wait3A_43 = arith.constant 0 : i32
        %dma_wait3A_44 = tpu.memref_slice %dma_wait3A_41[%dma_wait3A_42, %dma_wait3A_43] : memref<93x512xf32, #tpu.memory_space<hbm>> -> memref<76x512xf32, #tpu.memory_space<hbm>>
        %dma_wait3A_45 = arith.constant 0 : i32
        %dma_wait3A_46 = arith.constant 0 : i32
        %dma_wait3A_47 = tpu.memref_slice %arg6[%add3A_9, %dma_wait3A_45, %dma_wait3A_46] : memref<1000x93x512xf32, #tpu.memory_space<hbm>> -> memref<1x93x512xf32, #tpu.memory_space<hbm>>
        %dma_wait3A_48 = tpu.memref_squeeze %dma_wait3A_47 : memref<1x93x512xf32, #tpu.memory_space<hbm>> -> memref<93x512xf32, #tpu.memory_space<hbm>>
        %dma_wait3A_49 = arith.constant 17 : i32
        %dma_wait3A_50 = arith.constant 0 : i32
        %dma_wait3A_51 = tpu.memref_slice %dma_wait3A_48[%dma_wait3A_49, %dma_wait3A_50] : memref<93x512xf32, #tpu.memory_space<hbm>> -> memref<76x512xf32, #tpu.memory_space<hbm>>
        %dma_wait3A_52 = arith.constant 0 : i32
        %dma_wait3A_53 = arith.constant 0 : i32
        %dma_wait3A_54 = tpu.memref_slice %arg8[%dma_wait3A_52, %dma_wait3A_53] : memref<80x512xf32, #tpu.memory_space<vmem>> -> memref<76x512xf32, #tpu.memory_space<vmem>>
        tpu.wait_dma2 semaphore(%run_scoped3A_14 : memref<!tpu.dma_semaphore, #tpu.memory_space<semaphore_mem>>) src(%dma_wait3A_54 : memref<76x512xf32, #tpu.memory_space<vmem>>) dst(%dma_wait3A_51 : memref<76x512xf32, #tpu.memory_space<hbm>>)
        tpu.yield
      }) : () -> ()
    } else {
    }
    return
  }
}

</mosaic_0001>

<sc_bundles>
// kernel: _run.3.cloned.1.call-start
scs
__scs_entry_jumppad:
0x0: {  	(pc) =	sbr.rel $0x88, $3  }
0x1: {  	(tag) =	ssettag $0x0;
	lr =	simm.s32 $0x1  }
0x2: {  	[smem:$0x3F9D] =	sst lr;
	_ =	strace $0xD0000000  }
0x3: {  	_ = 	snop  }
0x4: {  	_ = 	snop  }
0x5: {  	_ = 	snop  }
0x6: {  	_ = 	snop  }
0x7: {  	_ = 	snop  }
__scs_overlays_trampoline_lowered:
0x8: {  	[smem:$0x3FAC] =	sst s0  }
0x9: {  	[smem:$0x3FAD] =	sst s1  }
0xa: {  	[smem:$0x3FAE] =	sst s2  }
0xb: {  	[smem:$0x3FAF] =	sst s3  }
0xc: {  	[smem:$0x3FB0] =	sst s4  }
0xd: {  	[smem:$0x3FB1] =	sst s5  }
0xe: {  	[smem:$0x3FB2] =	sst s6  }
0xf: {  	[smem:$0x3FB3] =	sst s7  }
0x10: {  	[smem:$0x3FB4] =	sst s8  }
0x11: {  	[smem:$0x3FB5] =	sst s9;
	s0 =	simm.s32 @!p0 $0x0  }
0x12: {  	s1 =	sld [smem:$0x3F9B];
	s0 =	simm.s32 @p0 $0x1  }
0x13: {  	[smem:$0x3FB6] =	sst s0;
	s0 =	simm.s32 @!p1 $0x0  }
0x14: {  	s2 =	sld [smem:$0x3F9A];
	s0 =	simm.s32 @p1 $0x1  }
0x15: {  	[smem:$0x3FB7] =	sst s0;
	s0 =	simm.s32 @!p2 $0x0  }
0x16: {  	s3 =	sld [smem:$0x3FDB];
	s0 =	simm.s32 @p2 $0x1  }
0x17: {  	s4 =	simm.s32 $0x1BF5;
	[smem:$0x3FB9] =	sst s0  }
0x18: {  	s0 =	sld [smem:$0x3F9C];
	_ =	swait.ge [sflag:s4], $0x0  }
0x19: {  	s7 =	sld [smem:$0x3F9D]  }
0x1a: {  	s8 =	sadd.s32 $0xFFFFE003, lr  }
0x1b: {  	s9 =	sadd.s32 $0xFFFFFEF7, lr;
	s5 =	simm.s32 $0xFFFFFFFF;
	p2 =	slt.u32 s8, $0xFFFFF086  }
0x1c: {  	p1 =	slt.u32 s9, $0xF7A;
	s5 =	simm.s32 @!p2 $0x0  }
0x1d: {  	s5 =	simm.s32 @p1 $0x1;
	p0 =	seq.s32 s7, s2  }
0x1e: {  	s7 =	smul.u32 @!p0 $0xF7A, s2;
	p2 =	seq.s32 @!p0 s5, $0x0  }
0x1f: {  	s9 =	smul.u32 $0xF7A, s1;
	s8 =	simm.s32 @!p0 $0x1BF5;
	p2 =	por !p2, p0  }
0x20: {  	[sflag:s8] =	ssyncset.s32 @!p0 $0xFFFFF086;
	s6 =	sadd.s32 @!p0 s3, s7;
	s7 =	simm.s32 @!p0 $0x108  }
0x21: {  	s3 =	sadd.s32 s3, s9;
	s6 =	sadd.s32 @!p0 $0x88, s6;
	s7 =	simm.s32 @p2 $0x1082  }
0x22: {  	[simem:s7], [sflag:s8] =	dma.local @!p0 [hbm:s6], $0xF7A  }
0x23: {  	s9 =	sor.u32 $0xD0000000, s2;
	s6 =	simm.s32 $0x108;
	_ =	swait.ge @!p0 [sflag:s8], $0x0  }
0x24: {  	s3 =	sadd.s32 $0x88, s3;
	s6 =	simm.s32 @!p1 $0x1082;
	[sflag:s4] =	ssyncset.s32 $0xFFFFF086  }
0x25: {  	[simem:s6], [sflag:s4] =	dma.local [hbm:s3], $0xF7A  }
0x26: {  	[smem:$0x3F9D] =	sst s1;
	(tag) =	ssettag s2;
	_ =	strace s9  }
0x27: {  	s1 =	sld [smem:$0x3FAD]  }
0x28: {  	s2 =	sld [smem:$0x3FAE]  }
0x29: {  	s4 =	sld [smem:$0x3FB0]  }
0x2a: {  	p0 =	seq.s32 s5, $0x0;
	s5 =	sld [smem:$0x3FB1]  }
0x2b: {  	s6 =	sld [smem:$0x3FB2]  }
0x2c: {  	s7 =	sld [smem:$0x3FB3]  }
0x2d: {  	s3 =	simm.s32 $0x108;
	s8 =	sld [smem:$0x3FB4]  }
0x2e: {  	s3 =	simm.s32 @!p0 $0x1082;
	s9 =	sld [smem:$0x3FB5]  }
0x2f: {  	lr =	sadd.s32 s0, s3;
	s0 =	sld [smem:$0x3FAC]  }
0x30: {  	s3 =	sld [smem:$0x3FAF]  }
0x31: {  	[smem:$0x3FB8] =	sst s10  }
0x32: {  	s10 =	sld [smem:$0x3FB6];
	_ =	sdelay $0x3  }
0x33: {  	p0 =	seq.s32 s10, $0x1;
	s10 =	sld [smem:$0x3FB8];
	_ =	sdelay $0x3  }
0x34: {  	[smem:$0x3FB8] =	sst s10  }
0x35: {  	s10 =	sld [smem:$0x3FB7];
	_ =	sdelay $0x3  }
0x36: {  	p1 =	seq.s32 s10, $0x1;
	s10 =	sld [smem:$0x3FB8];
	_ =	sdelay $0x3  }
0x37: {  	[smem:$0x3FB8] =	sst s10  }
0x38: {  	s10 =	sld [smem:$0x3FB9]  }
0x39: {  	_ = 	snop;
	(pc) =	sbr.ind lr, $3  }
0x3a: {  	_ = 	snop  }
0x3b: {  	_ = 	snop  }
0x3c: {  	p2 =	seq.s32 s10, $0x1;
	s10 =	sld [smem:$0x3FB8]  }
0x3d: {  	_ =	shalt  }
0x3e: {  	_ =	shalt  }
0x3f: {  	_ =	shalt  }
0x40: {  	_ =	shalt  }
0x41: {  	_ =	shalt  }
0x42: {  	_ =	shalt  }
0x43: {  	_ =	shalt  }
0x44: {  	_ =	shalt  }
0x45: {  	_ =	shalt  }
0x46: {  	_ =	shalt  }
0x47: {  	_ =	shalt  }
0x48: {  	_ =	shalt  }
0x49: {  	_ =	shalt  }
0x4a: {  	_ =	shalt  }
0x4b: {  	_ =	shalt  }
0x4c: {  	_ =	shalt  }
0x4d: {  	_ =	shalt  }
0x4e: {  	_ =	shalt  }
0x4f: {  	_ =	shalt  }
0x50: {  	_ =	shalt  }
0x51: {  	_ =	shalt  }
0x52: {  	_ =	shalt  }
0x53: {  	_ =	shalt  }
0x54: {  	_ =	shalt  }
0x55: {  	_ =	shalt  }
0x56: {  	_ =	shalt  }
0x57: {  	_ =	shalt  }
0x58: {  	_ =	shalt  }
0x59: {  	_ =	shalt  }
0x5a: {  	_ =	shalt  }
0x5b: {  	_ =	shalt  }
0x5c: {  	_ =	shalt  }
0x5d: {  	_ =	shalt  }
0x5e: {  	_ =	shalt  }
0x5f: {  	_ =	shalt  }
0x60: {  	_ =	shalt  }
0x61: {  	_ =	shalt  }
0x62: {  	_ =	shalt  }
0x63: {  	_ =	shalt  }
0x64: {  	_ =	shalt  }
0x65: {  	_ =	shalt  }
0x66: {  	_ =	shalt  }
0x67: {  	_ =	shalt  }
0x68: {  	_ =	shalt  }
0x69: {  	_ =	shalt  }
0x6a: {  	_ =	shalt  }
0x6b: {  	_ =	shalt  }
0x6c: {  	_ =	shalt  }
0x6d: {  	_ =	shalt  }
0x6e: {  	_ =	shalt  }
0x6f: {  	_ =	shalt  }
0x70: {  	_ =	shalt  }
0x71: {  	_ =	shalt  }
0x72: {  	_ =	shalt  }
0x73: {  	_ =	shalt  }
0x74: {  	_ =	shalt  }
0x75: {  	_ =	shalt  }
0x76: {  	_ =	shalt  }
0x77: {  	_ =	shalt  }
0x78: {  	_ =	shalt  }
0x79: {  	_ =	shalt  }
0x7a: {  	_ =	shalt  }
0x7b: {  	_ =	shalt  }
0x7c: {  	_ =	shalt  }
0x7d: {  	_ =	shalt  }
0x7e: {  	_ =	shalt  }
0x7f: {  	_ =	shalt  }
0x80: {  	_ =	shalt  }
0x81: {  	_ =	shalt  }
0x82: {  	_ =	shalt  }
0x83: {  	_ =	shalt  }
0x84: {  	_ =	shalt  }
0x85: {  	_ =	shalt  }
0x86: {  	_ =	shalt  }
0x87: {  	_ =	shalt  }
.Lfunc_end0:
.L_simem_size_0:
called_computation.2_lowered:
.L_overlay_start_0:
0x88: {  	s2 =	sld [smem:$0x3FD9]  }
0x89: {  	s3 =	sld [smem:$0x3FFE];
	_ =	sdelay $0x1  }
0x8a: {  	s1 =	srdreg.scid  }
0x8b: {  	s0 =	sand.u32 $0x1, s1  }
0x8c: {  	s17 =	sshll.u32 s0, $0xA;
	s2 =	sadd.s32 s3, s2  }
0x8d: {  	s2 =	sadd.s32 s2, s17  }
0x8e: {  	[smem:$0x3FC4] =	sst s2  }
0x8f: {  	_ = 	snop  }
0x90: {  	s2 =	sld [smem:$0x3FD0];
	(tm) =	ssettm $0x1  }
0x91: {  	s18 =	sld [smem:$0x3FFB];
	_ =	sdelay $0x3  }
0x92: {  	_ =	strace s18  }
0x93: {  	s3 =	sld [smem:$0x3FFC];
	_ =	sdelay $0x3  }
0x94: {  	_ =	strace s3  }
0x95: {  	s3 =	sld [smem:$0x3FFD];
	_ =	sdelay $0x3  }
0x96: {  	_ =	strace s3  }
0x97: {  	_ =	strace $0x8FFFFFFF  }
0x98: {  	s19 =	sld [smem:$0x3FDB];
	_ =	sdelay $0x1  }
0x99: {  	s4 =	simm.s32 $_scs_section_size  }
0x9a: {  	s5 =	simm.s32 $_size__tile_overlayer_lowered;
	s6 =	simm.s32 $_tile_overlayer_lowered  }
0x9b: {  	s22 =	simm.s32 $0x1BFF;
	s21 =	sshll.u32 s6, $0x1;
	s3 =	sadd.s32 s4, s19  }
0x9c: {  	s7 =	simm.s32 $0x0;
	s20 =	sshll.u32 s5, $0x1;
	s5 =	sadd.s32 s21, s3  }
0x9d: {  	[timem:s7], [sflag:s22] =	dma.local [hbm:s5], s20  }
0x9e: {  	_ =	swait.ge [sflag:s22], s20  }
0x9f: {  	s4 =	ssub.s32 $0x0, s20;
	[sflag:s22] =	ssyncset.done $0x0  }
0xa0: {  	[sflag:s22] =	ssyncadd.s32 s4;
	_ =	sdelay $0x1  }
0xa1: {  	s23 =	simm.s32 $0x1B8B  }
0xa2: {  	_ =	swait.ge [sflag:s23], $0x1  }
0xa3: {  	[sflag:s23] =	ssyncset.done $0x0  }
0xa4: {  	s25 =	simm.s32 $0x1B8E;
	s24 =	sld [smem:$0x3FFE];
	[sflag:s23] =	ssyncadd.s32 $0xFFFFFFFF  }
0xa5: {  	s26 =	simm.s32 $execute0_lowered;
	[smem:$0x3FD2] =	sst s25  }
0xa6: {  	s5 =	sshll.u32 s26, $0x1;
	_ =	strace $0x80000049;
	[dreg:$0x1] =	wrdreg $0xFFFFFFFF  }
0xa7: {  	s28 =	simm.s32 $_size_execute0_lowered;
	s3 =	sadd.s32 s3, s5;
	[dreg:$0x0] =	wrdreg $0x0  }
0xa8: {  	s5 =	sshll.u32 s28, $0x1;
	[dreg:$0x2] =	wrdreg s3  }
0xa9: {  	[dreg:$0x3] =	wrdreg s5  }
0xaa: {  	[dreg:$0x4] =	wrdreg $0xC0  }
0xab: {  	_ =	task [dreg:s7], $0x5FFFF  }
0xac: {  	[dreg:$0x1] =	wrdreg $0xFFFFFFFF  }
0xad: {  	[dreg:$0x0] =	wrdreg $0x60  }
0xae: {  	[dreg:$0x2] =	wrdreg s24  }
0xaf: {  	[dreg:$0x3] =	wrdreg s2  }
0xb0: {  	[dreg:$0x4] =	wrdreg $0x9  }
0xb1: {  	_ =	task.clear_ibuf [dreg:s7], $0x5FFFF;
	_ =	strace $0x90000049  }
0xb2: {  	s29 =	simm.s32 $0x9;
	_ =	strace $0x8000004B  }
0xb3: {  	_ =	swait.ge [sflag:s29], $0x1  }
0xb4: {  	[sflag:s29] =	ssyncadd.s32 $0xFFFFFFFF  }
0xb5: {  	_ =	strace $0x9000004B  }
0xb6: {  	_ =	sfence  }
0xb7: {  	s30 =	sld [smem:$0x0];
	_ =	sdelay $0x2  }
0xb8: {  	s31 =	sshll.u32 s1, $0xD;
	s1 =	sshrl.u32 s1, $0x2  }
0xb9: {  	s3 =	sand.u32 $0x4000, s31;
	s1 =	sadd.s32 s1, s30  }
0xba: {  	s0 =	sor.u32 s3, s0;
	s1 =	sshll.u32 s1, $0x11  }
0xbb: {  	s0 =	sor.u32 s1, s0  }
0xbc: {  	s0 =	sadd.s32 $0x8F2B, s0  }
0xbd: {  	[sflag:s0] =	ssyncadd.remote.s32 $0x1  }
0xbe: {  	_ =	sfence.sel $0xFFFF  }
0xbf: {  	[dreg:$0x0] =	wrdreg $0xFFFFFFFF;
	(pc) =	sbr.abs _section_cstart, $3  }
0xc0: {  	[dreg:$0x1] =	wrdreg $0xFFFFFFFF  }
0xc1: {  	_ =	task.clear_ibuf [dreg:s7], $0x2FFFF;
	_ =	strace $0x9FFFFFFF  }
0xc2: {  	(tm) =	ssettm $0x7FFFFFFF  }
0xc3: {  	_ =	shalt  }
tec
execute0_lowered:
.L_overlay_start_1:
0x0: {  	(tag) =	ssettag $0x1  }
0x1: {  	s5 =	rddreg [dreg:$0x0]  }
0x2: {  	s9 =	rddreg [dreg:$0x1]  }
0x3: {  	s0 =	rddreg [dreg:$0x2];
	s2 =	simm.s32 $0x0  }
0x4: {  	s3 =	srdreg.scid;
	s1 =	stileid.u32;
	s18 =	simm.s32 $0x0  }
0x5: {  	[smem:$0x7FF] =	sst s2;
	s10 =	sand.u32 $0x1, s3;
	s4 =	sshll.u32 s1, $0x1  }
0x6: {  	s11 =	sadd.s32 $0x305600, s5;
	s3 =	sadd.s32 $0x1200, s5;
	s15 =	smul.u32 $0x2E80, s1  }
0x7: {  	s12 =	sadd.s32 $0x307E00, s5;
	s29 =	sshll.u32 s1, $0x7;
	s30 =	smul.u32 $0x14, s1  }
0x8: {  	p0 =	sgt.u32 s1, $0x3;
	_ =	strace $0x8000004A;
	s6 =	sor.u32 s10, s4  }
0x9: {  	s4 =	sadd.s32 $0x305200, s5;
	s7 =	ssub.s32 $0x2, s10;
	s16 =	smul.u32 $0x1740, s10  }
0xa: {  	s31 =	sshll.u32 s10, $0x6;
	s17 =	smul.u32 $0xA, s10;
	s6 =	sor.u32 $0x3E0, s6  }
0xb: {  	s26 =	sshrl.u32 s7, $0x1;
	s15 =	sadd.s32 s15, s9;
	s8 =	smul.u32 $0xA, s6  }
0xc: {  	s13 =	ssub.s32 s7, s26;
	s28 =	sshll.u32 s6, $0x6;
	s14 =	smul.u32 $0x1740, s6  }
0xd: {  	s10 =	sadd.s32 s16, s15;
	s15 =	simm.s32 $0xA050;
	s16 =	simm.s32 $0x1  }
0xe: {  	s6 =	sadd.s32 s12, s28;
	s12 =	sadd.s32 s29, s12;
	s5 =	sadd.s32 s11, s8  }
0xf: {  	s7 =	sadd.s32 s9, s14;
	s8 =	smax.u32 s13, $0x1;
	s9 =	sadd.s32 s31, s12  }
0x10: {  	s11 =	sadd.s32 s30, s11;
	s12 =	simm.s32 $0xA250;
	s13 =	simm.s32 $0x2  }
0x11: {  	s14 =	simm.s32 $0x50;
	s11 =	sadd.s32 s17, s11;
	s17 =	sadd.s32 @!p0 $0x440, s7  }
.LBB2_1:
0x12: {  	[tilespmem:s12], [sflag:$0x2] =	stream.linear.gather [hbm4b:s4+s2], $0x2000, $0x38;
	[tilespmem:$0xC250] =	vst v63  }
0x13: {  	_ =	swait.ge [sflag:s13], $0x2000  }
0x14: {  	[sflag:s13] =	ssyncset.done $0x0  }
0x15: {  	s19 =	sadd.s32 $0x0, s11;
	[sflag:s13] =	ssyncadd.s32 $0xFFFFE000  }
0x16: {  	[tilespmem:s2], [sflag:$0x2] =	stream.linear.gather [hbm4b:s19+s2], $0x50, $0x38;
	[tilespmem:$0xC250] =	vst v63  }
0x17: {  	_ =	swait.ge [sflag:s13], $0x50  }
0x18: {  	[sflag:s13] =	ssyncset.done $0x0  }
0x19: {  	[sflag:s13] =	ssyncadd.s32 $0xFFFFFFB0  }
0x1a: {  	[tilespmem:s14], [sflag:$0x1] =	stream.indirect.gather [hbm4b:s3+s14], $0x200, s2, s14, $0xb8;
	[tilespmem:$0xC250] =	vst v63  }
0x1b: {  	_ = 	snop  }
0x1c: {  	[tilespmem:s15], [sflag:$0x2] =	stream.linear.gather [hbm4b:s9+s2], $0x200, $0x38;
	[tilespmem:$0xC250] =	vst v63  }
0x1d: {  	_ =	swait.ge [sflag:s13], $0x200  }
0x1e: {  	[sflag:s13] =	ssyncset.done $0x0  }
0x1f: {  	[sflag:s13] =	ssyncadd.s32 $0xFFFFFE00  }
0x20: {  	[hbm4b:s10+s2] =	stream.linear.scatter [tilespmem:s15], [sflag:$0x2], $0x2200, $0x38;
	[tilespmem:$0xC250] =	vst v63  }
0x21: {  	_ =	swait.ge [sflag:s13], $0x2200  }
0x22: {  	[sflag:s13] =	ssyncset.done $0x0  }
0x23: {  	[sflag:s13] =	ssyncadd.s32 $0xFFFFDE00  }
0x24: {  	_ =	swait.ge [sflag:s16], $0xA000  }
0x25: {  	[sflag:s16] =	ssyncset.done $0x0  }
0x26: {  	s31 =	sadd.s32 $0x440, s10;
	[sflag:s16] =	ssyncadd.s32 $0xFFFF6000  }
0x27: {  	[hbm4b:s31+s2] =	stream.linear.scatter [tilespmem:s14], [sflag:$0x2], $0x9800, $0x38;
	[tilespmem:$0xC250] =	vst v63  }
0x28: {  	s21 =	simm.s32 $0x140;
	s22 =	simm.s32 $0x280;
	_ =	swait.ge [sflag:s13], $0x9800  }
0x29: {  	s20 =	sadd.s32 $0x800, s9;
	s19 =	sadd.s32 $0x2E800, s10;
	[sflag:s13] =	ssyncset.done $0x0  }
.LBB2_2:
0x2a: {  	s23 =	sadd.s32 s21, s11  }
0x2b: {  	[sflag:s13] =	ssyncadd.s32 $0xFFFF6800;
	s21 =	smov.u32 s22;
	s24 =	sadd.s32 $0x140, s22  }
0x2c: {  	[tilespmem:s2], [sflag:$0x2] =	stream.linear.gather [hbm4b:s23+s2], $0x50, $0x38;
	[tilespmem:$0xC250] =	vst v63  }
0x2d: {  	p1 =	sne.s32 s22, $0x2580;
	_ =	swait.ge [sflag:s13], $0x50  }
0x2e: {  	[sflag:s13] =	ssyncset.done $0x0  }
0x2f: {  	[sflag:s13] =	ssyncadd.s32 $0xFFFFFFB0  }
0x30: {  	[tilespmem:s14], [sflag:$0x1] =	stream.indirect.gather [hbm4b:s3+s14], $0x200, s2, s14, $0xb8;
	[tilespmem:$0xC250] =	vst v63  }
0x31: {  	_ = 	snop  }
0x32: {  	[tilespmem:s15], [sflag:$0x2] =	stream.linear.gather [hbm4b:s20+s2], $0x200, $0x38;
	[tilespmem:$0xC250] =	vst v63  }
0x33: {  	_ =	swait.ge [sflag:s13], $0x200  }
0x34: {  	[sflag:s13] =	ssyncset.done $0x0  }
0x35: {  	[sflag:s13] =	ssyncadd.s32 $0xFFFFFE00  }
0x36: {  	[hbm4b:s19+s2] =	stream.linear.scatter [tilespmem:s15], [sflag:$0x2], $0x2200, $0x38;
	[tilespmem:$0xC250] =	vst v63  }
0x37: {  	_ =	swait.ge [sflag:s13], $0x2200  }
0x38: {  	[sflag:s13] =	ssyncset.done $0x0  }
0x39: {  	[sflag:s13] =	ssyncadd.s32 $0xFFFFDE00  }
0x3a: {  	_ =	swait.ge [sflag:s16], $0xA000  }
.Ltmp0:
0x3b: {  	[sflag:s16] =	ssyncset.done $0x0;
	(pc) =	sbr.rel @p1 .LBB2_2-.Ltmp0, $4  }
0x3c: {  	s22 =	sadd.s32 $0x440, s19;
	[sflag:s16] =	ssyncadd.s32 $0xFFFF6000  }
0x3d: {  	[hbm4b:s22+s2] =	stream.linear.scatter [tilespmem:s14], [sflag:$0x2], $0x9800, $0x38;
	[tilespmem:$0xC250] =	vst v63  }
0x3e: {  	s20 =	sadd.s32 $0x800, s20;
	_ =	swait.ge [sflag:s13], $0x9800  }
0x3f: {  	s19 =	sadd.s32 $0x2E800, s19;
	s22 =	smov.u32 s24;
	[sflag:s13] =	ssyncset.done $0x0  }
0x40: {  	s21 =	sadd.s32 s21, s11;
	[sflag:s13] =	ssyncadd.s32 $0xFFFF6800  }
0x41: {  	[tilespmem:s2], [sflag:$0x2] =	stream.linear.gather [hbm4b:s21+s2], $0x50, $0x38;
	[tilespmem:$0xC250] =	vst v63  }
0x42: {  	_ =	swait.ge [sflag:s13], $0x50  }
0x43: {  	[sflag:s13] =	ssyncset.done $0x0  }
0x44: {  	[sflag:s13] =	ssyncadd.s32 $0xFFFFFFB0  }
0x45: {  	[tilespmem:s14], [sflag:$0x1] =	stream.indirect.gather [hbm4b:s3+s14], $0x200, s2, s14, $0xb8;
	[tilespmem:$0xC250] =	vst v63  }
0x46: {  	_ = 	snop  }
0x47: {  	[tilespmem:s15], [sflag:$0x2] =	stream.linear.gather [hbm4b:s20+s2], $0x200, $0x38;
	[tilespmem:$0xC250] =	vst v63  }
0x48: {  	_ =	swait.ge [sflag:s13], $0x200  }
0x49: {  	[sflag:s13] =	ssyncset.done $0x0  }
0x4a: {  	[sflag:s13] =	ssyncadd.s32 $0xFFFFFE00  }
0x4b: {  	[hbm4b:s19+s2] =	stream.linear.scatter [tilespmem:s15], [sflag:$0x2], $0x2200, $0x38;
	[tilespmem:$0xC250] =	vst v63  }
0x4c: {  	_ =	swait.ge [sflag:s13], $0x2200  }
0x4d: {  	[sflag:s13] =	ssyncset.done $0x0  }
0x4e: {  	[sflag:s13] =	ssyncadd.s32 $0xFFFFDE00  }
0x4f: {  	_ =	swait.ge [sflag:s16], $0xA000  }
0x50: {  	[sflag:s16] =	ssyncset.done $0x0  }
0x51: {  	s31 =	sadd.s32 $0x440, s19;
	[sflag:s16] =	ssyncadd.s32 $0xFFFF6000  }
0x52: {  	[hbm4b:s31+s2] =	stream.linear.scatter [tilespmem:s14], [sflag:$0x2], $0x9800, $0x38;
	[tilespmem:$0xC250] =	vst v63  }
0x53: {  	_ =	swait.ge [sflag:s13], $0x9800  }
0x54: {  	[sflag:s13] =	ssyncset.done $0x0  }
0x55: {  	s20 =	simm.s32 @!p0 $0x2;
	s19 =	simm.s32 @!p0 $0x0;
	[sflag:s13] =	ssyncadd.s32 $0xFFFF6800  }
0x56: {  	[tilespmem:s19], [sflag:$0x2] =	stream.linear.gather @!p0 [hbm4b:s5+s19], $0x50, $0x38;
	[tilespmem:$0xC250] =	vst v63  }
0x57: {  	_ =	swait.ge @!p0 [sflag:s20], $0x50  }
0x58: {  	[sflag:s20] =	ssyncset.done @!p0 $0x0  }
0x59: {  	s21 =	simm.s32 @!p0 $0x50;
	[sflag:s20] =	ssyncadd.s32 @!p0 $0xFFFFFFB0  }
0x5a: {  	[tilespmem:s21], [sflag:$0x1] =	stream.indirect.gather @!p0 [hbm4b:s3+s21], $0x200, s19, s21, $0xb8;
	[tilespmem:$0xC250] =	vst v63  }
0x5b: {  	s22 =	simm.s32 @!p0 $0xA050  }
0x5c: {  	[tilespmem:s22], [sflag:$0x2] =	stream.linear.gather @!p0 [hbm4b:s6+s19], $0x200, $0x38;
	[tilespmem:$0xC250] =	vst v63  }
0x5d: {  	_ =	swait.ge @!p0 [sflag:s20], $0x200  }
0x5e: {  	[sflag:s20] =	ssyncset.done @!p0 $0x0  }
0x5f: {  	[sflag:s20] =	ssyncadd.s32 @!p0 $0xFFFFFE00  }
0x60: {  	[hbm4b:s7+s19] =	stream.linear.scatter @!p0 [tilespmem:s22], [sflag:$0x2], $0x2200, $0x38;
	[tilespmem:$0xC250] =	vst v63  }
0x61: {  	_ =	swait.ge @!p0 [sflag:s20], $0x2200  }
0x62: {  	[sflag:s20] =	ssyncset.done @!p0 $0x0  }
0x63: {  	s22 =	simm.s32 @!p0 $0x1;
	[sflag:s20] =	ssyncadd.s32 @!p0 $0xFFFFDE00  }
0x64: {  	s18 =	sadd.s32 $0x1, s18;
	_ =	swait.ge @!p0 [sflag:s22], $0xA000  }
0x65: {  	p1 =	sne.s32 s18, s8;
	[sflag:s22] =	ssyncset.done @!p0 $0x0  }
.Ltmp1:
0x66: {  	[sflag:s22] =	ssyncadd.s32 @!p0 $0xFFFF6000;
	(pc) =	sbr.rel @p1 .LBB2_1-.Ltmp1, $4  }
0x67: {  	[hbm4b:s17+s19] =	stream.linear.scatter @!p0 [tilespmem:s21], [sflag:$0x2], $0x9800, $0x38;
	[tilespmem:$0xC250] =	vst v63  }
0x68: {  	_ =	swait.ge @!p0 [sflag:s20], $0x9800  }
0x69: {  	[sflag:s20] =	ssyncset.done @!p0 $0x0  }
0x6a: {  	[sflag:s20] =	ssyncadd.s32 @!p0 $0xFFFF6800  }
0x6b: {  	_ =	sfence.sel $0x180000  }
0x6c: {  	[bflag:$0x0] =	sbarrier.arrive $0xFFFF  }
0x6d: {  	p0 =	sne.s32 s1, $0x0;
	_ =	strace $0x9000004A  }
0x6e: {  	s0 =	sadd.s32 @!p0 $0x100000, s0;
	[bflag:$0x2] =	sbarrier.arrive $0xFFFF  }
0x6f: {  	[sflag:s0] =	ssyncadd.tile.s32 @!p0 $0x1;
	_ =	shalt  }
.Lfunc_end2:
_tile_overlayer_lowered:
.L_overlay_start_2:
0x70: {  	(tag) =	ssettag $0x2  }
0x71: {  	s0 =	rddreg [dreg:$0x0];
	s2 =	stileid.u32  }
0x72: {  	s1 =	rddreg [dreg:$0x1];
	p0 =	sne.s32 s2, $0x0  }
0x73: {  	s3 =	rddreg [dreg:$0x2];
	[bflag:$0x3] =	sbarrier.arrive $0xFFFF;
	s2 =	simm.s32 @!p0 $0x1C02  }
0x74: {  	[timem:s3], [sflag:s2] =	dma.local @!p0 [hbm:s0], s1  }
0x75: {  	s0 =	simm.s32 @!p0 $0x2  }
0x76: {  	_ =	swait.ge @!p0 [sflag:s0], s1  }
0x77: {  	s1 =	ssub.s32 @!p0 $0x0, s1;
	[sflag:s0] =	ssyncset.done @!p0 $0x0  }
0x78: {  	[sflag:s0] =	ssyncadd.s32 @!p0 s1  }
0x79: {  	[bflag:$0x3] =	sbarrier.arrive $0xFFFF  }
0x7a: {  	_ =	shalt  }

// kernel: sparse-core-data-format-call.1.cloned.1.call-start
scs
called_computation.1_lowered:
.L_overlay_start_0:
0x0: {  	s2 =	sld [smem:$0x3FD9]  }
0x1: {  	s3 =	sld [smem:$0x3FFE];
	_ =	sdelay $0x1  }
0x2: {  	s1 =	srdreg.scid  }
0x3: {  	s0 =	sand.u32 $0x1, s1  }
0x4: {  	s18 =	sshll.u32 s0, $0xA;
	s2 =	sadd.s32 s3, s2  }
0x5: {  	s2 =	sadd.s32 s2, s18  }
0x6: {  	[smem:$0x3FC4] =	sst s2  }
0x7: {  	_ = 	snop  }
0x8: {  	s2 =	sld [smem:$0x3FC8];
	(tm) =	ssettm $0x1  }
0x9: {  	s19 =	sld [smem:$0x3FFB];
	_ =	sdelay $0x3  }
0xa: {  	_ =	strace s19  }
0xb: {  	s3 =	sld [smem:$0x3FFC];
	_ =	sdelay $0x3  }
0xc: {  	_ =	strace s3  }
0xd: {  	s3 =	sld [smem:$0x3FFD];
	_ =	sdelay $0x3  }
0xe: {  	_ =	strace s3  }
0xf: {  	_ =	strace $0x8FFFFFFF  }
0x10: {  	s20 =	sld [smem:$0x3FDB];
	_ =	sdelay $0x1  }
0x11: {  	s4 =	simm.s32 $_scs_section_size  }
0x12: {  	s5 =	simm.s32 $_size__tile_overlayer_lowered;
	s6 =	simm.s32 $_tile_overlayer_lowered  }
0x13: {  	s23 =	simm.s32 $0x1BFF;
	s22 =	sshll.u32 s6, $0x1;
	s3 =	sadd.s32 s4, s20  }
0x14: {  	s7 =	simm.s32 $0x0;
	s21 =	sshll.u32 s5, $0x1;
	s5 =	sadd.s32 s22, s3  }
0x15: {  	[timem:s7], [sflag:s23] =	dma.local [hbm:s5], s21  }
0x16: {  	_ =	swait.ge [sflag:s23], s21  }
0x17: {  	s4 =	ssub.s32 $0x0, s21;
	[sflag:s23] =	ssyncset.done $0x0  }
0x18: {  	[sflag:s23] =	ssyncadd.s32 s4;
	_ =	sdelay $0x1  }
0x19: {  	s24 =	simm.s32 $0x1B8B  }
0x1a: {  	_ =	swait.ge [sflag:s24], $0x1  }
0x1b: {  	[sflag:s24] =	ssyncset.done $0x0  }
0x1c: {  	s26 =	simm.s32 $0x1B8E;
	s25 =	sld [smem:$0x3FFE];
	[sflag:s24] =	ssyncadd.s32 $0xFFFFFFFF  }
0x1d: {  	s27 =	simm.s32 $execute0_lowered;
	[smem:$0x3FD2] =	sst s26  }
0x1e: {  	s5 =	sshll.u32 s27, $0x1;
	_ =	strace $0x80000046;
	[dreg:$0x1] =	wrdreg $0xFFFFFFFF  }
0x1f: {  	s28 =	simm.s32 $_size_execute0_lowered;
	s3 =	sadd.s32 s3, s5;
	[dreg:$0x0] =	wrdreg $0x0  }
0x20: {  	s5 =	sshll.u32 s28, $0x1;
	[dreg:$0x2] =	wrdreg s3  }
0x21: {  	[dreg:$0x3] =	wrdreg s5  }
0x22: {  	[dreg:$0x4] =	wrdreg $0xC0  }
0x23: {  	_ =	task [dreg:s7], $0x5FFFF  }
0x24: {  	[dreg:$0x1] =	wrdreg $0xFFFFFFFF  }
0x25: {  	[dreg:$0x0] =	wrdreg $0x60  }
0x26: {  	[dreg:$0x2] =	wrdreg s2  }
0x27: {  	[dreg:$0x3] =	wrdreg s25  }
0x28: {  	[dreg:$0x4] =	wrdreg $0x9  }
0x29: {  	_ =	task.clear_ibuf [dreg:s7], $0x5FFFF;
	_ =	strace $0x90000046  }
0x2a: {  	s29 =	simm.s32 $0x9;
	_ =	strace $0x80000048  }
0x2b: {  	_ =	swait.ge [sflag:s29], $0x1  }
0x2c: {  	[sflag:s29] =	ssyncadd.s32 $0xFFFFFFFF  }
0x2d: {  	_ =	strace $0x90000048  }
0x2e: {  	_ =	sfence  }
0x2f: {  	s30 =	sld [smem:$0x0];
	_ =	sdelay $0x2  }
0x30: {  	s31 =	sshll.u32 s1, $0xD;
	s1 =	sshrl.u32 s1, $0x2  }
0x31: {  	s3 =	sand.u32 $0x4000, s31;
	s1 =	sadd.s32 s1, s30  }
0x32: {  	s0 =	sor.u32 s3, s0;
	s1 =	sshll.u32 s1, $0x11  }
0x33: {  	s0 =	sor.u32 s1, s0  }
0x34: {  	s0 =	sadd.s32 $0x8F2B, s0  }
0x35: {  	[sflag:s0] =	ssyncadd.remote.s32 $0x1  }
0x36: {  	_ =	sfence.sel $0xFFFF  }
0x37: {  	[dreg:$0x0] =	wrdreg $0xFFFFFFFF;
	(pc) =	sbr.abs _section_cstart, $3  }
0x38: {  	[dreg:$0x1] =	wrdreg $0xFFFFFFFF  }
0x39: {  	_ =	task.clear_ibuf [dreg:s7], $0x2FFFF;
	_ =	strace $0x9FFFFFFF  }
0x3a: {  	(tm) =	ssettm $0x7FFFFFFF  }
0x3b: {  	_ =	shalt  }
tec
execute0_lowered:
.L_overlay_start_1:
0x0: {  	(tag) =	ssettag $0x1  }
0x1: {  	s0 =	srdreg.scid  }
0x2: {  	s1 =	sshll.u32 s0, $0x4  }
0x3: {  	s2 =	rddreg [dreg:$0x0];
	s0 =	stileid.u32;
	s1 =	sand.u32 $0x10, s1  }
0x4: {  	s4 =	rddreg [dreg:$0x1];
	s7 =	simm.s32 $0x1;
	s1 =	sor.u32 s0, s1  }
0x5: {  	s8 =	simm.s32 $0x2;
	s9 =	simm.s32 $0x0;
	s3 =	sshll.u32 s1, $0x2  }
0x6: {  	s12 =	simm.s32 $0x0;
	s11 =	simm.s32 $0x0;
	s6 =	ssub.s32 $0x1820, s3  }
.Ltmp0:
0x7: {  	s4 =	sadd.s32 $0x1200, s4;
	s5 =	sand.u32 $0x7C, s6;
	(pc) =	sbr.rel .LBB1_1-.Ltmp0, $4  }
0x8: {  	s1 =	rddreg [dreg:$0x2];
	_ =	strace $0x80000047;
	p0 =	sne.s32 s5, $0x0  }
0x9: {  	s6 =	sshrl.u32 s6, $0x7;
	s5 =	simm.s32 $0x1;
	s7 =	simm.s32 @!p0 $0x0  }
0xa: {  	s10 =	smov.u32 s3;
	[sflag:s5] =	ssyncpa.u1 $0x0;
	s6 =	sadd.s32 s7, s6  }
0xb: {  	[sflag:s8] =	ssyncpa.u1 $0x0;
	s8 =	simm.s32 $0x0;
	s7 =	sadd.s32 $0x1, s6  }
.LBB1_9:
0xc: {  	s14 =	sadd.s32 $0x80, s10  }
0xd: {  	p1 =	sgt.s32 s14, $0x181F  }
0xe: {  	s14 =	smov.u32 @p1 s3;
	p1 =	sne.s32 s11, s7  }
.Ltmp1:
0xf: {  	p0 =	slt.u32 s11, $0x2;
	(pc) =	sbr.rel @!p1 .LBB1_10-.Ltmp1, $4  }
0x10: {  	s13 =	simm.s32 @!p0 $0x2  }
0x11: {  	s15 =	sadd.s32 $0x1, s11;
	_ =	swait.ge @!p0 [sflag:s13], $0x4000  }
0x12: {  	s12 =	smov.u32 s10;
	s9 =	sadd.s32 $0x4000, s9;
	[sflag:s13] =	ssyncset.done @!p0 $0x0  }
0x13: {  	s11 =	smov.u32 s15;
	s10 =	smov.u32 s14;
	[sflag:s13] =	ssyncadd.s32 @!p0 $0xFFFFC000  }
.LBB1_1:
0x14: {  	p0 =	sge.u32 s11, s6  }
0x15: {  	s13 =	sxor.u32 @!p0 $0xFFFFFFFF, s11  }
0x16: {  	s31 =	sadd.s32 $0xFFFFFFFF, s11;
	s14 =	sshll.u32 @!p0 s10, $0x9;
	s13 =	sshll.u32 @!p0 s13, $0xE  }
0x17: {  	s15 =	simm.s32 @!p0 $0x0;
	s14 =	sadd.s32 @!p0 s2, s14;
	s13 =	sand.u32 @!p0 $0x4000, s13  }
0x18: {  	[tilespmem:s13], [sflag:$0x1] =	stream.linear.gather @!p0 [hbm4b:s14+s15], $0x4000, $0x38;
	[tilespmem:$0x10000] =	vst v63  }
0x19: {  	p0 =	sge.u32 s31, s6  }
.Ltmp2:
0x1a: {  	_ = 	snop;
	(pc) =	sbr.rel @p0 .LBB1_9-.Ltmp2, $1  }
0x1b: {  	_ =	sdelay $0x3  }
0x1c: {  	s14 =	sand.u32 $0x4000, s9  }
0x1d: {  	_ =	swait.ge [sflag:s5], $0x4000;
	s15 =	sshll.u32 s11, $0xE;
	s16 =	simm.s32 $0x0  }
0x1e: {  	s13 =	sor.u32 $0x40, s14;
	[sflag:s5] =	ssyncset.done $0x0;
	s15 =	sand.u32 $0x4000, s15  }
0x1f: {  	s14 =	sor.u32 $0x8040, s14;
	[sflag:s5] =	ssyncadd.s32 $0xFFFFC000;
	s15 =	sor.u32 $0x8000, s15  }
.LBB1_3:
0x20: {  	s17 =	smov.u32 s14;
	s18 =	smov.u32 s13;
	s19 =	simm.s32 $0x0  }
.LBB1_4:
0x21: {  	v0 =	vmov s17;
	v2 =	vld [tilespmem:s18+$0x30]  }
0x22: {  	v4 =	vld [tilespmem:s18+$0xFFFFFFD0]  }
0x23: {  	v6 =	vld [tilespmem:s18+$0xFFFFFFE0]  }
0x24: {  	v7 =	vld [tilespmem:s18+$0xFFFFFFF0]  }
0x25: {  	s20 =	simm.s32 $0x0;
	v1 =	vld [tilespmem:s18+$0x0]  }
0x26: {  	v3 =	vld [tilespmem:s18+$0x10];
	[tilespmem:v0+s20+$0x30 ss:$0x1] =	vst.idx.msk $0xffff, v2  }
0x27: {  	v5 =	vld [tilespmem:s18+$0x20];
	[tilespmem:v0+s20+$0xFFFFFFD0 ss:$0x1] =	vst.idx.msk $0xffff, v4  }
0x28: {  	s21 =	sadd.s32 $0x80, s18;
	v2 =	vld [tilespmem:s18+$0xFFFFFFC0];
	[tilespmem:v0+s20+$0xFFFFFFE0 ss:$0x1] =	vst.idx.msk $0xffff, v6  }
0x29: {  	s22 =	simm.s32 $0x800;
	s23 =	simm.s32 $0x1000;
	v4 =	vld [tilespmem:s21+$0x30];
	[tilespmem:v0+s20+$0xFFFFFFF0 ss:$0x1] =	vst.idx.msk $0xffff, v7  }
.LBB1_5:
0x2a: {  	p0 =	sne.s32 s23, $0x3800;
	v6 =	vld [tilespmem:s21+$0xFFFFFFD0];
	[tilespmem:v0+s20+$0x0 ss:$0x1] =	vst.idx.msk $0xffff, v1  }
0x2b: {  	v7 =	vld [tilespmem:s21+$0xFFFFFFE0];
	[tilespmem:v0+s20+$0x10 ss:$0x1] =	vst.idx.msk $0xffff, v3  }
0x2c: {  	v8 =	vld [tilespmem:s21+$0xFFFFFFF0];
	[tilespmem:v0+s20+$0x20 ss:$0x1] =	vst.idx.msk $0xffff, v5  }
.Ltmp3:
0x2d: {  	v1 =	vld [tilespmem:s21+$0x0];
	[tilespmem:v0+s20+$0xFFFFFFC0 ss:$0x1] =	vst.idx.msk $0xffff, v2;
	s20 =	sshra.s32 s22, $0x2;
	s22 =	smov.u32 s23;
	(pc) =	sbr.rel @p0 .LBB1_5-.Ltmp3, $4  }
0x2e: {  	v3 =	vld [tilespmem:s21+$0x10];
	[tilespmem:v0+s20+$0x30 ss:$0x1] =	vst.idx.msk $0xffff, v4  }
0x2f: {  	[tilespmem:v0+s20+$0xFFFFFFD0 ss:$0x1] =	vst.idx.msk $0xffff, v6;
	v5 =	vld [tilespmem:s21+$0x20]  }
0x30: {  	v2 =	vld [tilespmem:s21+$0xFFFFFFC0];
	[tilespmem:v0+s20+$0xFFFFFFE0 ss:$0x1] =	vst.idx.msk $0xffff, v7;
	s21 =	sadd.s32 $0x80, s21  }
0x31: {  	s23 =	sadd.s32 $0x800, s23;
	v4 =	vld [tilespmem:s21+$0x30];
	[tilespmem:v0+s20+$0xFFFFFFF0 ss:$0x1] =	vst.idx.msk $0xffff, v8  }
0x32: {  	_ =	sdelay $0x3  }
0x33: {  	v6 =	vld [tilespmem:s21+$0xFFFFFFD0];
	[tilespmem:v0+s20+$0x0 ss:$0x1] =	vst.idx.msk $0xffff, v1  }
0x34: {  	v58 =	vld [tilespmem:s21+$0xFFFFFFE0];
	[tilespmem:v0+s20+$0x10 ss:$0x1] =	vst.idx.msk $0xffff, v3  }
0x35: {  	v59 =	vld [tilespmem:s21+$0xFFFFFFF0];
	[tilespmem:v0+s20+$0x20 ss:$0x1] =	vst.idx.msk $0xffff, v5  }
0x36: {  	s22 =	sshra.s32 s22, $0x2;
	v60 =	vld [tilespmem:s21+$0x0];
	[tilespmem:v0+s20+$0xFFFFFFC0 ss:$0x1] =	vst.idx.msk $0xffff, v2  }
0x37: {  	v61 =	vld [tilespmem:s21+$0x10];
	[tilespmem:v0+s22+$0x30 ss:$0x1] =	vst.idx.msk $0xffff, v4  }
0x38: {  	v62 =	vld [tilespmem:s21+$0x20];
	s19 =	sadd.s32 $0x1, s19;
	[tilespmem:v0+s22+$0xFFFFFFD0 ss:$0x1] =	vst.idx.msk $0xffff, v6  }
0x39: {  	v63 =	vld [tilespmem:s21+$0xFFFFFFC0];
	p0 =	sne.s32 s19, $0x4;
	[tilespmem:v0+s22+$0xFFFFFFE0 ss:$0x1] =	vst.idx.msk $0xffff, v58  }
.Ltmp4:
0x3a: {  	[tilespmem:v0+s22+$0xFFFFFFF0 ss:$0x1] =	vst.idx.msk $0xffff, v59;
	(pc) =	sbr.rel @p0 .LBB1_4-.Ltmp4, $4  }
0x3b: {  	[tilespmem:v0+s22+$0x0 ss:$0x1] =	vst.idx.msk $0xffff, v60  }
0x3c: {  	[tilespmem:v0+s22+$0x10 ss:$0x1] =	vst.idx.msk $0xffff, v61  }
0x3d: {  	[tilespmem:v0+s22+$0x20 ss:$0x1] =	vst.idx.msk $0xffff, v62  }
0x3e: {  	s18 =	sadd.s32 $0x400, s18;
	s17 =	sadd.s32 $0x80, s17;
	[tilespmem:v0+s22+$0xFFFFFFC0 ss:$0x1] =	vst.idx.msk $0xffff, v63  }
0x3f: {  	s16 =	sadd.s32 $0x1, s16  }
0x40: {  	p0 =	sne.s32 s16, $0x4  }
.Ltmp5:
0x41: {  	_ = 	snop;
	(pc) =	sbr.rel @p0 .LBB1_3-.Ltmp5, $2  }
0x42: {  	_ =	sdelay $0x2  }
0x43: {  	s13 =	sadd.s32 $0x1000, s13;
	s14 =	sadd.s32 $0x1000, s14  }
.Ltmp6:
0x44: {  	(pc) =	sbr.rel .LBB1_9-.Ltmp6, $4  }
0x45: {  	_ = 	snop  }
0x46: {  	s12 =	sshll.u32 s12, $0x9  }
0x47: {  	s12 =	sadd.s32 s4, s12  }
0x48: {  	[hbm4b:s12+s8] =	stream.linear.scatter [tilespmem:s15], [sflag:$0x2], $0x4000, $0x38;
	[tilespmem:$0x10000] =	vst v63  }
.LBB1_10:
0x49: {  	_ =	sfence.sel $0x180000  }
0x4a: {  	s2 =	simm.s32 $0x1;
	[bflag:$0x0] =	sbarrier.arrive $0xFFFF  }
0x4b: {  	s31 =	simm.s32 $0x2;
	[sflag:s2] =	ssyncpa.u1 $0x1  }
0x4c: {  	[sflag:s31] =	ssyncpa.u1 $0x1  }
0x4d: {  	p0 =	sne.s32 s0, $0x0;
	_ =	strace $0x90000047  }
0x4e: {  	s0 =	sadd.s32 @!p0 $0x100000, s1;
	[bflag:$0x2] =	sbarrier.arrive $0xFFFF  }
0x4f: {  	[sflag:s0] =	ssyncadd.tile.s32 @!p0 $0x1;
	_ =	shalt  }
.Lfunc_end1:
_tile_overlayer_lowered:
.L_overlay_start_2:
0x50: {  	(tag) =	ssettag $0x2  }
0x51: {  	s0 =	rddreg [dreg:$0x0];
	s2 =	stileid.u32  }
0x52: {  	s1 =	rddreg [dreg:$0x1];
	p0 =	sne.s32 s2, $0x0  }
0x53: {  	s3 =	rddreg [dreg:$0x2];
	[bflag:$0x3] =	sbarrier.arrive $0xFFFF;
	s2 =	simm.s32 @!p0 $0x1C01  }
0x54: {  	[timem:s3], [sflag:s2] =	dma.local @!p0 [hbm:s0], s1  }
0x55: {  	s0 =	simm.s32 @!p0 $0x1  }
0x56: {  	_ =	swait.ge @!p0 [sflag:s0], s1  }
0x57: {  	s1 =	ssub.s32 @!p0 $0x0, s1;
	[sflag:s0] =	ssyncset.done @!p0 $0x0  }
0x58: {  	[sflag:s0] =	ssyncadd.s32 @!p0 s1  }
0x59: {  	[bflag:$0x3] =	sbarrier.arrive $0xFFFF  }
0x5a: {  	_ =	shalt  }

// kernel: sparse-core-data-format-call.cloned.1.call-start
scs
called_computation_lowered:
.L_overlay_start_0:
0x0: {  	s2 =	sld [smem:$0x3FD9]  }
0x1: {  	s3 =	sld [smem:$0x3FFE];
	_ =	sdelay $0x1  }
0x2: {  	s1 =	srdreg.scid  }
0x3: {  	s0 =	sand.u32 $0x1, s1  }
0x4: {  	s18 =	sshll.u32 s0, $0xA;
	s2 =	sadd.s32 s3, s2  }
0x5: {  	s2 =	sadd.s32 s2, s18  }
0x6: {  	[smem:$0x3FC4] =	sst s2  }
0x7: {  	_ = 	snop  }
0x8: {  	s2 =	sld [smem:$0x3FD0];
	(tm) =	ssettm $0x1  }
0x9: {  	s19 =	sld [smem:$0x3FFB];
	_ =	sdelay $0x3  }
0xa: {  	_ =	strace s19  }
0xb: {  	s3 =	sld [smem:$0x3FFC];
	_ =	sdelay $0x3  }
0xc: {  	_ =	strace s3  }
0xd: {  	s3 =	sld [smem:$0x3FFD];
	_ =	sdelay $0x3  }
0xe: {  	_ =	strace s3  }
0xf: {  	_ =	strace $0x8FFFFFFF  }
0x10: {  	s20 =	sld [smem:$0x3FDB];
	_ =	sdelay $0x1  }
0x11: {  	s4 =	simm.s32 $_scs_section_size  }
0x12: {  	s5 =	simm.s32 $_size__tile_overlayer_lowered;
	s6 =	simm.s32 $_tile_overlayer_lowered  }
0x13: {  	s23 =	simm.s32 $0x1BFF;
	s22 =	sshll.u32 s6, $0x1;
	s3 =	sadd.s32 s4, s20  }
0x14: {  	s7 =	simm.s32 $0x0;
	s21 =	sshll.u32 s5, $0x1;
	s5 =	sadd.s32 s22, s3  }
0x15: {  	[timem:s7], [sflag:s23] =	dma.local [hbm:s5], s21  }
0x16: {  	_ =	swait.ge [sflag:s23], s21  }
0x17: {  	s4 =	ssub.s32 $0x0, s21;
	[sflag:s23] =	ssyncset.done $0x0  }
0x18: {  	[sflag:s23] =	ssyncadd.s32 s4;
	_ =	sdelay $0x1  }
0x19: {  	s24 =	simm.s32 $0x1B8B  }
0x1a: {  	_ =	swait.ge [sflag:s24], $0x1  }
0x1b: {  	[sflag:s24] =	ssyncset.done $0x0  }
0x1c: {  	s26 =	simm.s32 $0x1B8E;
	s25 =	sld [smem:$0x3FFE];
	[sflag:s24] =	ssyncadd.s32 $0xFFFFFFFF  }
0x1d: {  	s27 =	simm.s32 $execute0_lowered;
	[smem:$0x3FD2] =	sst s26  }
0x1e: {  	s5 =	sshll.u32 s27, $0x1;
	_ =	strace $0x8000004C;
	[dreg:$0x1] =	wrdreg $0xFFFFFFFF  }
0x1f: {  	s28 =	simm.s32 $_size_execute0_lowered;
	s3 =	sadd.s32 s3, s5;
	[dreg:$0x0] =	wrdreg $0x0  }
0x20: {  	s5 =	sshll.u32 s28, $0x1;
	[dreg:$0x2] =	wrdreg s3  }
0x21: {  	[dreg:$0x3] =	wrdreg s5  }
0x22: {  	[dreg:$0x4] =	wrdreg $0xC0  }
0x23: {  	_ =	task [dreg:s7], $0x5FFFF  }
0x24: {  	[dreg:$0x1] =	wrdreg $0xFFFFFFFF  }
0x25: {  	[dreg:$0x0] =	wrdreg $0x60  }
0x26: {  	[dreg:$0x2] =	wrdreg s25  }
0x27: {  	[dreg:$0x3] =	wrdreg s2  }
0x28: {  	[dreg:$0x4] =	wrdreg $0x9  }
0x29: {  	_ =	task.clear_ibuf [dreg:s7], $0x5FFFF;
	_ =	strace $0x9000004C  }
0x2a: {  	s29 =	simm.s32 $0x9;
	_ =	strace $0x8000004E  }
0x2b: {  	_ =	swait.ge [sflag:s29], $0x1  }
0x2c: {  	[sflag:s29] =	ssyncadd.s32 $0xFFFFFFFF  }
0x2d: {  	_ =	strace $0x9000004E  }
0x2e: {  	_ =	sfence  }
0x2f: {  	s30 =	sld [smem:$0x0];
	_ =	sdelay $0x2  }
0x30: {  	s31 =	sshll.u32 s1, $0xD;
	s1 =	sshrl.u32 s1, $0x2  }
0x31: {  	s3 =	sand.u32 $0x4000, s31;
	s1 =	sadd.s32 s1, s30  }
0x32: {  	s0 =	sor.u32 s3, s0;
	s1 =	sshll.u32 s1, $0x11  }
0x33: {  	s0 =	sor.u32 s1, s0  }
0x34: {  	s0 =	sadd.s32 $0x8F2B, s0  }
0x35: {  	[sflag:s0] =	ssyncadd.remote.s32 $0x1  }
0x36: {  	_ =	sfence.sel $0xFFFF  }
0x37: {  	[dreg:$0x0] =	wrdreg $0xFFFFFFFF;
	(pc) =	sbr.abs _section_cstart, $3  }
0x38: {  	[dreg:$0x1] =	wrdreg $0xFFFFFFFF  }
0x39: {  	_ =	task.clear_ibuf [dreg:s7], $0x2FFFF;
	_ =	strace $0x9FFFFFFF  }
0x3a: {  	(tm) =	ssettm $0x7FFFFFFF  }
0x3b: {  	_ =	shalt  }
tec
execute0_lowered:
.L_overlay_start_1:
0x0: {  	(tag) =	ssettag $0x1  }
0x1: {  	s0 =	srdreg.scid  }
0x2: {  	s5 =	stileid.u32;
	s0 =	sshll.u32 s0, $0x4  }
0x3: {  	s3 =	rddreg [dreg:$0x0];
	_ =	strace $0x8000004D;
	s0 =	sand.u32 $0x10, s0  }
0x4: {  	s6 =	simm.s32 $0x1;
	s8 =	simm.s32 $0x2;
	s0 =	sor.u32 s5, s0  }
0x5: {  	s19 =	simm.s32 $0x0;
	s10 =	simm.s32 $0x400;
	s1 =	sshll.u32 s0, $0x4  }
0x6: {  	s11 =	simm.s32 $0x1000;
	s12 =	simm.s32 $0x0;
	s2 =	sand.u32 $0x180, s1  }
0x7: {  	s18 =	simm.s32 $0x0;
	s20 =	simm.s32 $0x0;
	s1 =	ssub.s32 $0x200, s2  }
0x8: {  	s13 =	simm.s32 $0x0;
	s14 =	simm.s32 $0x0;
	s4 =	sand.u32 $0x180, s1  }
0x9: {  	s15 =	simm.s32 $0x0;
	s17 =	simm.s32 $0x0;
	p0 =	sne.s32 s4, $0x0  }
.Ltmp0:
0xa: {  	s1 =	sshrl.u32 s1, $0x9;
	s6 =	simm.s32 @!p0 $0x0;
	(pc) =	sbr.rel .LBB1_1-.Ltmp0, $4  }
0xb: {  	s31 =	sshll.u32 s5, $0x7;
	s5 =	simm.s32 $0x1;
	s1 =	sadd.s32 s6, s1  }
0xc: {  	s7 =	sand.u32 $0x380, s31;
	[sflag:s5] =	ssyncpa.u1 $0x0;
	s6 =	smul.u32 $0x5D, s1  }
0xd: {  	s16 =	smov.u32 s7;
	s0 =	sshll.u32 s0, $0x7;
	[sflag:s8] =	ssyncpa.u1 $0x0  }
0xe: {  	s8 =	sand.u32 $0xC00, s0;
	s4 =	sadd.s32 $0x1200, s3;
	s9 =	sadd.s32 $0x1, s6  }
.LBB1_9:
0xf: {  	s0 =	sshll.u32 s14, $0x9  }
0x10: {  	s1 =	sshll.u32 s20, $0x3;
	s3 =	sshll.u32 s14, $0x7;
	s0 =	sand.u32 $0xFFFFF000, s0  }
0x11: {  	s24 =	sand.u32 $0x200, s3;
	s0 =	sor.u32 s0, s1  }
0x12: {  	s0 =	sor.u32 s24, s0  }
0x13: {  	p0 =	sgt.s32 s13, $0x5C;
	s1 =	smov.u32 s13;
	s0 =	sshrl.u32 s0, $0x9  }
0x14: {  	s1 =	simm.s32 @!p0 $0x5C;
	s25 =	smulhi.u32 $0x83126F, s0  }
0x15: {  	s27 =	smul.u32 $0xFA00, s13;
	s28 =	sshll.u32 s14, $0x4;
	s1 =	sadd.s32 s21, s1  }
0x16: {  	s30 =	rddreg [dreg:$0x1];
	s26 =	sadd.s32 $0xFFFFFFA4, s1;
	s3 =	sshrl.u32 s25, $0x1  }
0x17: {  	s1 =	ssub.s32 $0x5D, s1;
	p0 =	sgt.s32 s26, $0x0;
	s3 =	smul.u32 $0x3E8, s3  }
0x18: {  	s29 =	sshll.u32 s17, $0xE;
	s20 =	sadd.s32 s30, s27;
	s1 =	simm.s32 @p0 $0x0  }
0x19: {  	s1 =	smul.u32 s1, s22;
	s0 =	ssub.s32 s0, s3;
	s3 =	sand.u32 $0x30, s28  }
0x1a: {  	s21 =	sand.u32 $0x4000, s29;
	s0 =	sshll.u32 s0, $0x6;
	s3 =	sadd.s32 s3, s20  }
0x1b: {  	s31 =	sor.u32 $0x8000, s21;
	s1 =	sand.u32 $0x3FFFFF80, s1;
	s0 =	sadd.s32 s0, s3  }
0x1c: {  	[hbm4b:s0+s10] =	stream.strided.scatter [tilespmem:s31], [sflag:$0x2], s1, s11, s10, $0x38;
	[tilespmem:$0x10000] =	vst v63  }
.LBB1_10:
0x1d: {  	p0 =	slt.u32 s17, $0x2  }
0x1e: {  	p1 =	sgt.s32 @!p0 s19, $0x5C  }
0x1f: {  	s0 =	smov.u32 s19;
	s3 =	smov.u32 s18;
	p1 =	por !p1, p0  }
0x20: {  	s1 =	sshra.s32 @!p0 s19, $0x1F;
	s0 =	simm.s32 @p1 $0x5C;
	p1 =	sgt.s32 @!p0 s18, $0x368  }
0x21: {  	s1 =	sand.u32 @!p0 s1, s19;
	s19 =	sshra.s32 @!p0 s18, $0x1F;
	p1 =	por !p1, p0  }
0x22: {  	s0 =	ssub.s32 @!p0 s0, s1;
	s1 =	sand.u32 @!p0 s19, s18;
	s3 =	simm.s32 @p1 $0x368  }
0x23: {  	s1 =	ssub.s32 @!p0 s3, s1  }
0x24: {  	s18 =	sadd.s32 @!p0 $0xFFFFFFA4, s0;
	s0 =	ssub.s32 @!p0 $0x5D, s0;
	s1 =	sadd.s32 @!p0 $0xFFFFFC98, s1  }
0x25: {  	p1 =	sgt.s32 @!p0 s18, $0x0;
	p2 =	sgt.s32 @!p0 s1, $0x7F;
	s1 =	sshll.u32 @!p0 s1, $0x7  }
0x26: {  	p1 =	por !p1, p0;
	s1 =	ssub.s32 @!p0 $0x4000, s1;
	p2 =	por !p2, p0  }
0x27: {  	s0 =	simm.s32 @!p1 $0x0;
	s1 =	simm.s32 @!p2 $0x0  }
0x28: {  	s0 =	smul.u32 @!p0 s0, s1;
	s1 =	sadd.s32 $0x1, s15  }
0x29: {  	s21 =	smov.u32 s16;
	s18 =	sadd.s32 $0x400, s16;
	p1 =	sgt.s32 s1, $0x5C  }
0x2a: {  	s21 =	smov.u32 @p1 s18  }
0x2b: {  	s1 =	simm.s32 @p1 $0x0;
	p1 =	sgt.s32 s21, $0x3E7  }
0x2c: {  	s12 =	sadd.s32 $0x4000, s12;
	s21 =	smov.u32 @p1 s7;
	p1 =	sne.s32 s17, s9  }
.Ltmp1:
0x2d: {  	s20 =	smov.u32 s2;
	s19 =	smov.u32 s13;
	(pc) =	sbr.rel @!p1 .LBB1_11-.Ltmp1, $4  }
0x2e: {  	s13 =	smov.u32 s15;
	s3 =	simm.s32 @!p0 $0x2;
	s0 =	sand.u32 @!p0 $0x3FFFFF80, s0  }
0x2f: {  	s18 =	smov.u32 s14;
	s14 =	smov.u32 s16;
	_ =	swait.ge @!p0 [sflag:s3], s0  }
0x30: {  	s0 =	ssub.s32 @!p0 $0x0, s0;
	s15 =	smov.u32 s1;
	[sflag:s3] =	ssyncset.done @!p0 $0x0  }
0x31: {  	s17 =	sadd.s32 $0x1, s17;
	[sflag:s3] =	ssyncadd.s32 @!p0 s0;
	s16 =	smov.u32 s21  }
.LBB1_1:
0x32: {  	p0 =	sge.u32 s17, s6;
	s21 =	smov.u32 s16;
	s31 =	sadd.s32 $0xFFFFFFFF, s17  }
0x33: {  	s0 =	sshll.u32 @!p0 s15, $0x9;
	s1 =	sshll.u32 @!p0 s15, $0x7;
	p1 =	sgt.s32 @!p0 s16, $0x368  }
0x34: {  	p2 =	sgt.s32 @!p0 s15, $0x5F;
	s3 =	sshra.s32 @!p0 s15, $0x1F;
	s22 =	sshra.s32 @!p0 s16, $0x1F  }
0x35: {  	s0 =	sand.u32 @!p0 $0xFFFFF000, s0;
	s1 =	sand.u32 @!p0 $0x200, s1;
	p1 =	por !p1, p0  }
0x36: {  	p2 =	por !p2, p0;
	s22 =	sand.u32 @!p0 s22, s16;
	s0 =	sor.u32 @!p0 s8, s0  }
0x37: {  	s21 =	simm.s32 @p1 $0x368;
	s0 =	sor.u32 @!p0 s1, s0;
	s1 =	smov.u32 s15  }
0x38: {  	s3 =	sand.u32 @!p0 s3, s15;
	s21 =	ssub.s32 @!p0 s21, s22;
	s1 =	simm.s32 @p2 $0x5F  }
0x39: {  	s0 =	sshrl.u32 @!p0 s0, $0x9;
	s21 =	sadd.s32 @!p0 $0xFFFFFC98, s21;
	s1 =	ssub.s32 @!p0 s1, s3  }
0x3a: {  	s3 =	smulhi.u32 @!p0 $0x2AAAAAB, s0;
	p2 =	sgt.s32 @!p0 s21, $0x7F;
	s22 =	sadd.s32 @!p0 $0xFFFFFFA1, s1  }
0x3b: {  	s21 =	sshll.u32 @!p0 s21, $0x7;
	s1 =	ssub.s32 @!p0 $0x60, s1;
	p1 =	sgt.s32 @!p0 s22, $0x0  }
0x3c: {  	s21 =	ssub.s32 @!p0 $0x4000, s21;
	s3 =	smul.u32 @!p0 $0x60, s3;
	p1 =	por !p1, p0  }
0x3d: {  	s22 =	sxor.u32 @!p0 $0xFFFFFFFF, s17;
	s1 =	simm.s32 @!p1 $0x0;
	p1 =	por !p2, p0  }
0x3e: {  	s0 =	ssub.s32 @!p0 s0, s3;
	s3 =	smul.u32 @!p0 $0x1800, s16;
	s21 =	simm.s32 @!p1 $0x0  }
0x3f: {  	s22 =	sshll.u32 @!p0 s22, $0xE;
	s1 =	smul.u32 @!p0 s1, s21;
	s21 =	sshll.u32 @!p0 s15, $0x4  }
0x40: {  	s22 =	sand.u32 @!p0 $0x4000, s22;
	s3 =	sadd.s32 @!p0 s4, s3;
	s21 =	sand.u32 @!p0 $0x30, s21  }
0x41: {  	s0 =	sshll.u32 @!p0 s0, $0x6;
	s1 =	sand.u32 @!p0 $0x3FFFFF80, s1;
	s3 =	sadd.s32 @!p0 s21, s3  }
0x42: {  	s21 =	simm.s32 @!p0 $0xC000;
	s0 =	sadd.s32 @!p0 s0, s3;
	s3 =	simm.s32 @!p0 $0x80  }
0x43: {  	[tilespmem:s22], [sflag:$0x1] =	stream.strided.gather @!p0 [hbm4b:s0+s3], s1, s21, s3, $0x38;
	[tilespmem:$0x10000] =	vst v63  }
0x44: {  	p0 =	sge.u32 s31, s6  }
.Ltmp2:
0x45: {  	_ = 	snop;
	(pc) =	sbr.rel @p0 .LBB1_10-.Ltmp2, $1  }
0x46: {  	_ =	sdelay $0x3  }
0x47: {  	p0 =	sgt.s32 s14, $0x368;
	s0 =	smov.u32 s14;
	s1 =	sshra.s32 s14, $0x1F  }
0x48: {  	s3 =	ssub.s32 $0x0, s13;
	s0 =	simm.s32 @!p0 $0x368;
	s1 =	sand.u32 s1, s14  }
0x49: {  	s21 =	sshra.s32 s13, $0x1F;
	s22 =	smov.u32 s13;
	s0 =	ssub.s32 s0, s1  }
0x4a: {  	p0 =	sgt.s32 s13, $0x5F;
	s21 =	sand.u32 s3, s21;
	s0 =	sadd.s32 $0xFFFFFC98, s0  }
0x4b: {  	s22 =	simm.s32 @!p0 $0x5F;
	p0 =	sgt.s32 s0, $0x7F;
	s0 =	sshll.u32 s0, $0x7  }
0x4c: {  	s29 =	sadd.s32 s21, s22;
	s22 =	ssub.s32 $0x4000, s0;
	s0 =	sadd.s32 $0x80, s14  }
0x4d: {  	s3 =	sadd.s32 $0x1, s13;
	s22 =	simm.s32 @p0 $0x0;
	p0 =	slt.s32 s0, $0x3E8  }
0x4e: {  	s30 =	sadd.s32 $0xFFFFFFA1, s29;
	s0 =	simm.s32 @!p0 $0x3E8;
	p0 =	slt.s32 s3, $0x5D  }
0x4f: {  	s1 =	ssub.s32 $0x60, s29;
	s23 =	ssub.s32 s0, s14;
	s3 =	simm.s32 @!p0 $0x5D  }
0x50: {  	p1 =	sgt.s32 s30, $0x0;
	s24 =	ssub.s32 s3, s13;
	p0 =	slt.s32 s23, $0x1  }
0x51: {  	s1 =	simm.s32 @p1 $0x0;
	p1 =	slt.s32 @!p0 s24, $0x1  }
0x52: {  	s1 =	smul.u32 s1, s22;
	p0 =	por p0, p1  }
.Ltmp3:
0x53: {  	_ = 	snop;
	(pc) =	sbr.rel @p0 .LBB1_9-.Ltmp3, $4  }
0x54: {  	s31 =	sand.u32 $0x3FFFFF80, s1  }
0x55: {  	_ =	swait.ge [sflag:s5], s31  }
0x56: {  	s0 =	ssub.s32 $0x0, s31;
	[sflag:s5] =	ssyncset.done $0x0  }
0x57: {  	[sflag:s5] =	ssyncadd.s32 s0  }
0x58: {  	s0 =	sshll.u32 s12, $0x2  }
0x59: {  	s0 =	sand.u32 $0x10000, s0  }
0x5a: {  	s25 =	sshrl.u32 s0, $0x2  }
0x5b: {  	s27 =	simm.s32 $0x0;
	s28 =	simm.s32 $0x0;
	s26 =	sor.u32 $0x8000, s25  }
.LBB1_4:
0x5c: {  	s0 =	sand.u32 $0x3F80, s27  }
0x5d: {  	s30 =	simm.s32 $0x0;
	s31 =	simm.s32 $0x0;
	s3 =	sadd.s32 s0, s26  }
.LBB1_5:
0x5e: {  	s0 =	sand.u32 $0x7, s30  }
0x5f: {  	s0 =	sadd.s32 s0, s28  }
0x60: {  	s0 =	sshll.u32 s0, $0x9  }
0x61: {  	s0 =	sshra.s32 s0, $0x2  }
0x62: {  	s29 =	smov.u32 s3;
	s1 =	sadd.s32 s0, s25;
	s0 =	simm.s32 $0xFFFFFFF0  }
.LBB1_6:
0x63: {  	s0 =	sadd.s32 $0x10, s0  }
0x64: {  	v0 =	vld [tilespmem:s1+$0x0];
	p0 =	slt.u32 s0, $0x70  }
.Ltmp4:
0x65: {  	_ = 	snop;
	(pc) =	sbr.rel @p0 .LBB1_6-.Ltmp4, $2  }
0x66: {  	_ =	sdelay $0x2  }
0x67: {  	s1 =	sadd.s32 $0x10, s1;
	[tilespmem:s29+$0x0] =	vst v0;
	s29 =	sadd.s32 $0x10, s29  }
0x68: {  	s31 =	sadd.s32 $0x1, s31  }
0x69: {  	p0 =	sne.s32 s31, s24  }
.Ltmp5:
0x6a: {  	_ = 	snop;
	(pc) =	sbr.rel @p0 .LBB1_5-.Ltmp5, $2  }
0x6b: {  	_ =	sdelay $0x2  }
0x6c: {  	s3 =	sadd.s32 $0x4000, s3;
	s30 =	sadd.s32 $0x1, s30  }
0x6d: {  	s28 =	sadd.s32 $0x1, s28  }
0x6e: {  	p0 =	sne.s32 s28, s23  }
.Ltmp6:
0x6f: {  	_ = 	snop;
	(pc) =	sbr.rel @p0 .LBB1_4-.Ltmp6, $4  }
.Ltmp7:
0x70: {  	_ = 	snop;
	(pc) =	sbr.rel @!p0 .LBB1_9-.Ltmp7, $4  }
0x71: {  	_ = 	snop  }
0x72: {  	_ = 	snop  }
0x73: {  	s27 =	sadd.s32 $0x80, s27  }
0x74: {  	_ = 	snop  }
.LBB1_11:
0x75: {  	_ =	sfence.sel $0x180000  }
0x76: {  	s0 =	simm.s32 $0x1;
	[bflag:$0x0] =	sbarrier.arrive $0xFFFF  }
0x77: {  	s30 =	simm.s32 $0x2;
	[sflag:s0] =	ssyncpa.u1 $0x1  }
0x78: {  	[sflag:s30] =	ssyncpa.u1 $0x1  }
0x79: {  	_ =	strace $0x9000004D  }
0x7a: {  	s31 =	stileid.u32;
	[bflag:$0x2] =	sbarrier.arrive $0xFFFF  }
0x7b: {  	p0 =	sne.s32 s31, $0x0;
	s0 =	rddreg [dreg:$0x2]  }
0x7c: {  	s0 =	sadd.s32 @!p0 $0x100000, s0  }
0x7d: {  	[sflag:s0] =	ssyncadd.tile.s32 @!p0 $0x1;
	_ =	shalt  }
.Lfunc_end1:
_tile_overlayer_lowered:
.L_overlay_start_2:
0x7e: {  	(tag) =	ssettag $0x2  }
0x7f: {  	s0 =	rddreg [dreg:$0x0];
	s2 =	stileid.u32  }
0x80: {  	s1 =	rddreg [dreg:$0x1];
	p0 =	sne.s32 s2, $0x0  }
0x81: {  	s3 =	rddreg [dreg:$0x2];
	[bflag:$0x3] =	sbarrier.arrive $0xFFFF;
	s2 =	simm.s32 @!p0 $0x1C01  }
0x82: {  	[timem:s3], [sflag:s2] =	dma.local @!p0 [hbm:s0], s1  }
0x83: {  	s0 =	simm.s32 @!p0 $0x1  }
0x84: {  	_ =	swait.ge @!p0 [sflag:s0], s1  }
0x85: {  	s1 =	ssub.s32 @!p0 $0x0, s1;
	[sflag:s0] =	ssyncset.done @!p0 $0x0  }
0x86: {  	[sflag:s0] =	ssyncadd.s32 @!p0 s1  }
0x87: {  	[bflag:$0x3] =	sbarrier.arrive $0xFFFF  }
0x88: {  	_ =	shalt  }

</sc_bundles>
